<compile_context>
chip_gen: v7x
topology: tpu7x:2x2x1
jax: 0.10.2.dev20260603
libtpu: 0.0.44.dev20260713+nightly
codegen_flags: <defaults>
</compile_context>

<pallas_src>
import functools

import jax
import jax.numpy as jnp
from jax import lax
from jax.experimental import pallas as pl
from jax.experimental.pallas import tpu as pltpu
from jax.experimental.pallas import tpu_sc as plsc

D_MODEL = 128
MAX_FRAMES = 100000

NC, NS, L = 2, 16, 16
NW = NC * NS
CHUNK = 80
DEPTH = 4


def _body(x_hbm, idx_hbm, tbl_hbm, out_hbm,
          idx_v, rows_v, x_v, isem, gsem, xsem, osem):
    wid = lax.axis_index("s") * NC + lax.axis_index("c")
    rows_per_w = x_hbm.shape[0] // NW
    n_chunks = rows_per_w // CHUNK
    w_base = wid * rows_per_w

    def clamp(s):
        def clamp_body(i, c):
            v = idx_v[s, pl.ds(i * L, L)]
            idx_v[s, pl.ds(i * L, L)] = jnp.minimum(
                jnp.maximum(v, 0), MAX_FRAMES - 1)
            return c
        lax.fori_loop(0, CHUNK // L, clamp_body, 0)

    def issue_idx(j, s):
        pltpu.async_copy(
            idx_hbm.at[pl.ds(w_base + j * CHUNK, CHUNK)], idx_v.at[s],
            isem.at[s])

    def issue_fetch(j, s):
        pltpu.async_copy(tbl_hbm.at[idx_v.at[s]], rows_v.at[s], gsem.at[s])
        pltpu.async_copy(
            x_hbm.at[pl.ds(w_base + j * CHUNK, CHUNK)], x_v.at[s],
            xsem.at[s])

    def wait_idx(s):
        pltpu.make_async_copy(
            idx_hbm.at[pl.ds(0, CHUNK)], idx_v.at[s], isem.at[s]).wait()

    def wait_fetch(s):
        pltpu.make_async_copy(
            tbl_hbm.at[idx_v.at[s]], rows_v.at[s], gsem.at[s]).wait()
        pltpu.make_async_copy(
            x_hbm.at[pl.ds(0, CHUNK)], x_v.at[s], xsem.at[s]).wait()

    def wait_out(s):
        pltpu.make_async_copy(
            rows_v.at[s], out_hbm.at[pl.ds(0, CHUNK)], osem.at[s]).wait()

    for k in range(DEPTH):
        issue_idx(k, k)
    for k in range(2):
        wait_idx(k)
        clamp(k)
        issue_fetch(k, k)

    def stage(j, s):
        s2 = (s + 2) % DEPTH

        @pl.when(j + 2 < n_chunks)
        def _():
            @pl.when(j >= 2)
            def _():
                wait_out(s2)

            wait_idx(s2)
            clamp(s2)
            issue_fetch(j + 2, s2)

        wait_fetch(s)

        @pl.when(j + DEPTH < n_chunks)
        def _():
            issue_idx(j + DEPTH, s)

        def add_body(r, c):
            for col in range(D_MODEL // L):
                sl = pl.ds(col * L, L)
                plsc.addupdate(rows_v.at[s, r, sl], x_v[s, r, sl])
            return c
        lax.fori_loop(0, CHUNK, add_body, 0)

        pltpu.async_copy(
            rows_v.at[s], out_hbm.at[pl.ds(w_base + j * CHUNK, CHUNK)],
            osem.at[s])

    def ring_body(t, carry):
        j = t * DEPTH
        for s in range(DEPTH):
            stage(j + s, s)
        return carry

    lax.fori_loop(0, n_chunks // DEPTH, ring_body, 0)

    for s in range(DEPTH):
        wait_out(s)


@functools.partial(jax.jit, static_argnames=())
def kernel(x, frame_indices, pe_weight):
    b, t, d = x.shape
    n_rows = b * t
    x2 = x.reshape(n_rows, d)
    idx = frame_indices.reshape(n_rows).astype(jnp.int32)

    mesh = plsc.VectorSubcoreMesh(
        core_axis_name="c", subcore_axis_name="s",
        num_cores=NC, num_subcores=NS)
    out = pl.kernel(
        _body,
        out_type=jax.ShapeDtypeStruct((n_rows, d), jnp.float32),
        mesh=mesh,
        scratch_types=[
            pltpu.VMEM((DEPTH, CHUNK), jnp.int32),
            pltpu.VMEM((DEPTH, CHUNK, d), jnp.float32),
            pltpu.VMEM((DEPTH, CHUNK, d), jnp.float32),
            pltpu.SemaphoreType.DMA((DEPTH,)),
            pltpu.SemaphoreType.DMA((DEPTH,)),
            pltpu.SemaphoreType.DMA((DEPTH,)),
            pltpu.SemaphoreType.DMA((DEPTH,)),
        ],
    )(x2, idx, pe_weight)
    return out.reshape(b, t, d)

# --- scband reference (transcript-rebuilt; emitter-appended) ---
"""Pipeline reference for scband-learned-temporal-positional-encoding-89790586290378 (READ-ONLY COPY).

The authoritative reference and input builder live on the scoring server;
editing this copy changes nothing except your own understanding.
"""

import jax, jax.numpy as jnp
import numpy as np

D_MODEL = 128
MAX_FRAMES = 100000

def setup_inputs(seed: int = 0) -> dict:
    key = jax.random.key(seed)
    k1, k2, k3 = jax.random.split(key, 3)
    x = jax.random.normal(k1, (4096, 200, D_MODEL), dtype=jnp.float32)
    frame_indices = jax.random.randint(k2, (4096, 200), 0, MAX_FRAMES, dtype=jnp.int64)
    pe_weight = jax.random.normal(k3, (MAX_FRAMES, D_MODEL), dtype=jnp.float32) * 0.02
    return {"x": x, "frame_indices": frame_indices, "pe_weight": pe_weight}

def reference(x, frame_indices, pe_weight):
    # clamp indices to valid range [0, max_frames - 1]
    idx = jnp.clip(frame_indices, 0, MAX_FRAMES - 1).astype(jnp.int32)
    # embedding lookup: gather rows of the learned PE table
    pe = jnp.take(pe_weight, idx, axis=0)  # (batch, num_frames, d_model)
    return x + pe

if __name__ == "__main__":
    import jax
    _d = setup_inputs()
    print(jax.jit(kernel)(*tuple(_d.values())))

</pallas_src>

<mosaic_0001>
#map = affine_map<(d0, d1) -> (0, 0)>
#map1 = affine_map<(d0, d1) -> (0)>
module attributes {stable_mosaic.version = 14 : i64} {
  func.func @_body(%arg0: i32, %arg1: i32, %arg2: memref<819200x128xf32, #tpu.memory_space<hbm>>, %arg3: memref<819200xi32, #tpu.memory_space<hbm>>, %arg4: memref<100000x128xf32, #tpu.memory_space<hbm>>, %arg5: memref<819200x128xf32, #tpu.memory_space<hbm>>, %arg6: memref<4x80xi32, #tpu.memory_space<vmem>>, %arg7: memref<4x80x128xf32, #tpu.memory_space<vmem>>, %arg8: memref<4x80x128xf32, #tpu.memory_space<vmem>>, %arg9: memref<4x!tpu.dma_semaphore, #tpu.memory_space<semaphore_mem>>, %arg10: memref<4x!tpu.dma_semaphore, #tpu.memory_space<semaphore_mem>>, %arg11: memref<4x!tpu.dma_semaphore, #tpu.memory_space<semaphore_mem>>, %arg12: memref<4x!tpu.dma_semaphore, #tpu.memory_space<semaphore_mem>>) attributes {dimension_semantics = [#tpu.dimension_semantics<core_parallel>, #tpu.dimension_semantics<subcore_parallel>], iteration_bounds = array<i64: 2, 16>, scalar_prefetch = 0 : i64, scratch_operands = 7 : i64, tpu.core_type = #tpu.core_type<sc_vector_subcore>, window_params = [{transform_indices = #map}, {transform_indices = #map1}, {transform_indices = #map}, {transform_indices = #map}]} {
    %mul3A = arith.constant 2 : i32
    %mul3A_0 = arith.muli %arg1, %mul3A : i32
    %add3A = arith.addi %mul3A_0, %arg0 : i32
    %mul3A_1 = arith.constant 25600 : i32
    %mul3A_2 = arith.muli %add3A, %mul3A_1 : i32
    %add3A_3 = arith.constant 0 : i32
    %add3A_4 = arith.addi %mul3A_2, %add3A_3 : i32
    %dma_start3A = arith.constant 0 : i32
    %dma_start3A_5 = arith.constant 0 : i32
    %dma_start3A_6 = arith.constant 0 : i32
    %dma_start3A_7 = tpu.memref_slice %arg6[%dma_start3A, %dma_start3A_6] : memref<4x80xi32, #tpu.memory_space<vmem>> -> memref<1x80xi32, #tpu.memory_space<vmem>>
    %dma_start3A_8 = tpu.memref_squeeze %dma_start3A_7 : memref<1x80xi32, #tpu.memory_space<vmem>> -> memref<80xi32, #tpu.memory_space<vmem>>
    %dma_start3A_9 = tpu.memref_slice %arg3[%add3A_4] : memref<819200xi32, #tpu.memory_space<hbm>> -> memref<80xi32, #tpu.memory_space<hbm>>
    %dma_start3A_10 = tpu.memref_slice %arg9[%dma_start3A_5] : memref<4x!tpu.dma_semaphore, #tpu.memory_space<semaphore_mem>> -> memref<1x!tpu.dma_semaphore, #tpu.memory_space<semaphore_mem>>
    %dma_start3A_11 = tpu.memref_squeeze %dma_start3A_10 : memref<1x!tpu.dma_semaphore, #tpu.memory_space<semaphore_mem>> -> memref<!tpu.dma_semaphore, #tpu.memory_space<semaphore_mem>>
    %dma_start3A_12 = arith.constant 0 : i32
    %dma_start3A_13 = tpu.memref_slice %arg6[%dma_start3A, %dma_start3A_12] : memref<4x80xi32, #tpu.memory_space<vmem>> -> memref<1x80xi32, #tpu.memory_space<vmem>>
    %dma_start3A_14 = tpu.memref_squeeze %dma_start3A_13 : memref<1x80xi32, #tpu.memory_space<vmem>> -> memref<80xi32, #tpu.memory_space<vmem>>
    %dma_start3A_15 = tpu.memref_slice %arg3[%add3A_4] : memref<819200xi32, #tpu.memory_space<hbm>> -> memref<80xi32, #tpu.memory_space<hbm>>
    tpu.enqueue_dma source(%dma_start3A_15 : memref<80xi32, #tpu.memory_space<hbm>>) target(%dma_start3A_14 : memref<80xi32, #tpu.memory_space<vmem>>) target_semaphore(%dma_start3A_11 : memref<!tpu.dma_semaphore, #tpu.memory_space<semaphore_mem>>)
    %add3A_16 = arith.constant 80 : i32
    %add3A_17 = arith.addi %mul3A_2, %add3A_16 : i32
    %dma_start3A_18 = arith.constant 1 : i32
    %dma_start3A_19 = arith.constant 1 : i32
    %dma_start3A_20 = arith.constant 0 : i32
    %dma_start3A_21 = tpu.memref_slice %arg6[%dma_start3A_18, %dma_start3A_20] : memref<4x80xi32, #tpu.memory_space<vmem>> -> memref<1x80xi32, #tpu.memory_space<vmem>>
    %dma_start3A_22 = tpu.memref_squeeze %dma_start3A_21 : memref<1x80xi32, #tpu.memory_space<vmem>> -> memref<80xi32, #tpu.memory_space<vmem>>
    %dma_start3A_23 = tpu.memref_slice %arg3[%add3A_17] : memref<819200xi32, #tpu.memory_space<hbm>> -> memref<80xi32, #tpu.memory_space<hbm>>
    %dma_start3A_24 = tpu.memref_slice %arg9[%dma_start3A_19] : memref<4x!tpu.dma_semaphore, #tpu.memory_space<semaphore_mem>> -> memref<1x!tpu.dma_semaphore, #tpu.memory_space<semaphore_mem>>
    %dma_start3A_25 = tpu.memref_squeeze %dma_start3A_24 : memref<1x!tpu.dma_semaphore, #tpu.memory_space<semaphore_mem>> -> memref<!tpu.dma_semaphore, #tpu.memory_space<semaphore_mem>>
    %dma_start3A_26 = arith.constant 0 : i32
    %dma_start3A_27 = tpu.memref_slice %arg6[%dma_start3A_18, %dma_start3A_26] : memref<4x80xi32, #tpu.memory_space<vmem>> -> memref<1x80xi32, #tpu.memory_space<vmem>>
    %dma_start3A_28 = tpu.memref_squeeze %dma_start3A_27 : memref<1x80xi32, #tpu.memory_space<vmem>> -> memref<80xi32, #tpu.memory_space<vmem>>
    %dma_start3A_29 = tpu.memref_slice %arg3[%add3A_17] : memref<819200xi32, #tpu.memory_space<hbm>> -> memref<80xi32, #tpu.memory_space<hbm>>
    tpu.enqueue_dma source(%dma_start3A_29 : memref<80xi32, #tpu.memory_space<hbm>>) target(%dma_start3A_28 : memref<80xi32, #tpu.memory_space<vmem>>) target_semaphore(%dma_start3A_25 : memref<!tpu.dma_semaphore, #tpu.memory_space<semaphore_mem>>)
    %add3A_30 = arith.constant 160 : i32
    %add3A_31 = arith.addi %mul3A_2, %add3A_30 : i32
    %dma_start3A_32 = arith.constant 2 : i32
    %dma_start3A_33 = arith.constant 2 : i32
    %dma_start3A_34 = arith.constant 0 : i32
    %dma_start3A_35 = tpu.memref_slice %arg6[%dma_start3A_32, %dma_start3A_34] : memref<4x80xi32, #tpu.memory_space<vmem>> -> memref<1x80xi32, #tpu.memory_space<vmem>>
    %dma_start3A_36 = tpu.memref_squeeze %dma_start3A_35 : memref<1x80xi32, #tpu.memory_space<vmem>> -> memref<80xi32, #tpu.memory_space<vmem>>
    %dma_start3A_37 = tpu.memref_slice %arg3[%add3A_31] : memref<819200xi32, #tpu.memory_space<hbm>> -> memref<80xi32, #tpu.memory_space<hbm>>
    %dma_start3A_38 = tpu.memref_slice %arg9[%dma_start3A_33] : memref<4x!tpu.dma_semaphore, #tpu.memory_space<semaphore_mem>> -> memref<1x!tpu.dma_semaphore, #tpu.memory_space<semaphore_mem>>
    %dma_start3A_39 = tpu.memref_squeeze %dma_start3A_38 : memref<1x!tpu.dma_semaphore, #tpu.memory_space<semaphore_mem>> -> memref<!tpu.dma_semaphore, #tpu.memory_space<semaphore_mem>>
    %dma_start3A_40 = arith.constant 0 : i32
    %dma_start3A_41 = tpu.memref_slice %arg6[%dma_start3A_32, %dma_start3A_40] : memref<4x80xi32, #tpu.memory_space<vmem>> -> memref<1x80xi32, #tpu.memory_space<vmem>>
    %dma_start3A_42 = tpu.memref_squeeze %dma_start3A_41 : memref<1x80xi32, #tpu.memory_space<vmem>> -> memref<80xi32, #tpu.memory_space<vmem>>
    %dma_start3A_43 = tpu.memref_slice %arg3[%add3A_31] : memref<819200xi32, #tpu.memory_space<hbm>> -> memref<80xi32, #tpu.memory_space<hbm>>
    tpu.enqueue_dma source(%dma_start3A_43 : memref<80xi32, #tpu.memory_space<hbm>>) target(%dma_start3A_42 : memref<80xi32, #tpu.memory_space<vmem>>) target_semaphore(%dma_start3A_39 : memref<!tpu.dma_semaphore, #tpu.memory_space<semaphore_mem>>)
    %add3A_44 = arith.constant 240 : i32
    %add3A_45 = arith.addi %mul3A_2, %add3A_44 : i32
    %dma_start3A_46 = arith.constant 3 : i32
    %dma_start3A_47 = arith.constant 3 : i32
    %dma_start3A_48 = arith.constant 0 : i32
    %dma_start3A_49 = tpu.memref_slice %arg6[%dma_start3A_46, %dma_start3A_48] : memref<4x80xi32, #tpu.memory_space<vmem>> -> memref<1x80xi32, #tpu.memory_space<vmem>>
    %dma_start3A_50 = tpu.memref_squeeze %dma_start3A_49 : memref<1x80xi32, #tpu.memory_space<vmem>> -> memref<80xi32, #tpu.memory_space<vmem>>
    %dma_start3A_51 = tpu.memref_slice %arg3[%add3A_45] : memref<819200xi32, #tpu.memory_space<hbm>> -> memref<80xi32, #tpu.memory_space<hbm>>
    %dma_start3A_52 = tpu.memref_slice %arg9[%dma_start3A_47] : memref<4x!tpu.dma_semaphore, #tpu.memory_space<semaphore_mem>> -> memref<1x!tpu.dma_semaphore, #tpu.memory_space<semaphore_mem>>
    %dma_start3A_53 = tpu.memref_squeeze %dma_start3A_52 : memref<1x!tpu.dma_semaphore, #tpu.memory_space<semaphore_mem>> -> memref<!tpu.dma_semaphore, #tpu.memory_space<semaphore_mem>>
    %dma_start3A_54 = arith.constant 0 : i32
    %dma_start3A_55 = tpu.memref_slice %arg6[%dma_start3A_46, %dma_start3A_54] : memref<4x80xi32, #tpu.memory_space<vmem>> -> memref<1x80xi32, #tpu.memory_space<vmem>>
    %dma_start3A_56 = tpu.memref_squeeze %dma_start3A_55 : memref<1x80xi32, #tpu.memory_space<vmem>> -> memref<80xi32, #tpu.memory_space<vmem>>
    %dma_start3A_57 = tpu.memref_slice %arg3[%add3A_45] : memref<819200xi32, #tpu.memory_space<hbm>> -> memref<80xi32, #tpu.memory_space<hbm>>
    tpu.enqueue_dma source(%dma_start3A_57 : memref<80xi32, #tpu.memory_space<hbm>>) target(%dma_start3A_56 : memref<80xi32, #tpu.memory_space<vmem>>) target_semaphore(%dma_start3A_53 : memref<!tpu.dma_semaphore, #tpu.memory_space<semaphore_mem>>)
    %dma_wait3A = arith.constant 0 : i32
    %dma_wait3A_58 = arith.constant 0 : i32
    %dma_wait3A_59 = arith.constant 0 : i32
    %dma_wait3A_60 = tpu.memref_slice %arg6[%dma_wait3A, %dma_wait3A_59] : memref<4x80xi32, #tpu.memory_space<vmem>> -> memref<1x80xi32, #tpu.memory_space<vmem>>
    %dma_wait3A_61 = tpu.memref_squeeze %dma_wait3A_60 : memref<1x80xi32, #tpu.memory_space<vmem>> -> memref<80xi32, #tpu.memory_space<vmem>>
    %dma_wait3A_62 = arith.constant 0 : i32
    %dma_wait3A_63 = tpu.memref_slice %arg3[%dma_wait3A_62] : memref<819200xi32, #tpu.memory_space<hbm>> -> memref<80xi32, #tpu.memory_space<hbm>>
    %dma_wait3A_64 = tpu.memref_slice %arg9[%dma_wait3A_58] : memref<4x!tpu.dma_semaphore, #tpu.memory_space<semaphore_mem>> -> memref<1x!tpu.dma_semaphore, #tpu.memory_space<semaphore_mem>>
    %dma_wait3A_65 = tpu.memref_squeeze %dma_wait3A_64 : memref<1x!tpu.dma_semaphore, #tpu.memory_space<semaphore_mem>> -> memref<!tpu.dma_semaphore, #tpu.memory_space<semaphore_mem>>
    %dma_wait3A_66 = arith.constant 0 : i32
    %dma_wait3A_67 = tpu.memref_slice %arg6[%dma_wait3A, %dma_wait3A_66] : memref<4x80xi32, #tpu.memory_space<vmem>> -> memref<1x80xi32, #tpu.memory_space<vmem>>
    %dma_wait3A_68 = tpu.memref_squeeze %dma_wait3A_67 : memref<1x80xi32, #tpu.memory_space<vmem>> -> memref<80xi32, #tpu.memory_space<vmem>>
    %dma_wait3A_69 = arith.constant 0 : i32
    %dma_wait3A_70 = tpu.memref_slice %arg3[%dma_wait3A_69] : memref<819200xi32, #tpu.memory_space<hbm>> -> memref<80xi32, #tpu.memory_space<hbm>>
    tpu.wait_dma2 semaphore(%dma_wait3A_65 : memref<!tpu.dma_semaphore, #tpu.memory_space<semaphore_mem>>) src(%dma_wait3A_70 : memref<80xi32, #tpu.memory_space<hbm>>) dst(%dma_wait3A_68 : memref<80xi32, #tpu.memory_space<vmem>>)
    %scan3A = arith.constant 0 : i32
    %scan3A_71 = arith.constant 0 : i32
    %scan3A_72 = arith.constant 5 : i32
    %scan3A_73 = arith.addi %scan3A_71, %scan3A_72 : i32
    %scan3A_74 = arith.constant 1 : i32
    scf.for %scan3A_240 = %scan3A_71 to %scan3A_73 step %scan3A_74  : i32 {
      %mul3A_241 = arith.constant 16 : i32
      %mul3A_242 = arith.muli %scan3A_240, %mul3A_241 : i32
      %get3A = arith.constant 0 : i32
      %get3A_243 = arith.index_cast %get3A : i32 to index
      %get3A_244 = arith.index_cast %mul3A_242 : i32 to index
      %get3A_245 = tpu.vector_load %arg6[%get3A_243, %get3A_244] {strides = array<i32>} : memref<4x80xi32, #tpu.memory_space<vmem>>, vector<1x16xi32>,
      %get3A_246 = vector.shape_cast %get3A_245 : vector<1x16xi32> to vector<16xi32>
      %max3A = arith.constant 0 : i32
      %max3A_247 = vector.broadcast %max3A : i32 to vector<16xi32>
      %max3A_248 = arith.maxsi %get3A_246, %max3A_247 : vector<16xi32>
      %min3A = arith.constant 99999 : i32
      %min3A_249 = vector.broadcast %min3A : i32 to vector<16xi32>
      %min3A_250 = arith.minsi %max3A_248, %min3A_249 : vector<16xi32>
      %mul3A_251 = arith.constant 16 : i32
      %mul3A_252 = arith.muli %scan3A_240, %mul3A_251 : i32
      %swap3A = arith.constant 0 : i32
      %swap3A_253 = arith.index_cast %swap3A : i32 to index
      %swap3A_254 = arith.index_cast %mul3A_252 : i32 to index
      %swap3A_255 = tpu.vector_load %arg6[%swap3A_253, %swap3A_254] {strides = array<i32>} : memref<4x80xi32, #tpu.memory_space<vmem>>, vector<1x16xi32>,
      %swap3A_256 = vector.shape_cast %swap3A_255 : vector<1x16xi32> to vector<16xi32>
      %swap3A_257 = vector.shape_cast %min3A_250 : vector<16xi32> to vector<1x16xi32>
      tpu.vector_store %arg6[%swap3A_253, %swap3A_254], %swap3A_257 {strides = array<i32>} : memref<4x80xi32, #tpu.memory_space<vmem>>, vector<1x16xi32>,
    }
    %scan3A_75 = arith.constant 5 : i32
    %dma_start3A_76 = arith.constant 0 : i32
    %dma_start3A_77 = arith.constant 0 : i32
    %dma_start3A_78 = arith.constant 0 : i32
    %dma_start3A_79 = arith.constant 0 : i32
    %dma_start3A_80 = arith.constant 0 : i32
    %dma_start3A_81 = tpu.memref_slice %arg7[%dma_start3A_77, %dma_start3A_79, %dma_start3A_80] : memref<4x80x128xf32, #tpu.memory_space<vmem>> -> memref<1x80x128xf32, #tpu.memory_space<vmem>>
    %dma_start3A_82 = tpu.memref_squeeze %dma_start3A_81 : memref<1x80x128xf32, #tpu.memory_space<vmem>> -> memref<80x128xf32, #tpu.memory_space<vmem>>
    %dma_start3A_83 = arith.constant 0 : i32
    %dma_start3A_84 = tpu.memref_slice %arg6[%dma_start3A_76, %dma_start3A_83] : memref<4x80xi32, #tpu.memory_space<vmem>> -> memref<1x80xi32, #tpu.memory_space<vmem>>
    %dma_start3A_85 = tpu.memref_squeeze %dma_start3A_84 : memref<1x80xi32, #tpu.memory_space<vmem>> -> memref<80xi32, #tpu.memory_space<vmem>>
    %dma_start3A_86 = arith.constant 0 : i32
    %dma_start3A_87 = arith.constant 0 : i32
    %dma_start3A_88 = tpu.memref_slice %arg4[%dma_start3A_86, %dma_start3A_87] : memref<100000x128xf32, #tpu.memory_space<hbm>> -> memref<100000x128xf32, #tpu.memory_space<hbm>>
    %dma_start3A_89 = tpu.memref_slice %arg10[%dma_start3A_78] : memref<4x!tpu.dma_semaphore, #tpu.memory_space<semaphore_mem>> -> memref<1x!tpu.dma_semaphore, #tpu.memory_space<semaphore_mem>>
    %dma_start3A_90 = tpu.memref_squeeze %dma_start3A_89 : memref<1x!tpu.dma_semaphore, #tpu.memory_space<semaphore_mem>> -> memref<!tpu.dma_semaphore, #tpu.memory_space<semaphore_mem>>
    tpu.enqueue_indirect_dma source(%dma_start3A_88 : memref<100000x128xf32, #tpu.memory_space<hbm>>) target(%dma_start3A_82 : memref<80x128xf32, #tpu.memory_space<vmem>>) offsets(%dma_start3A_85 : memref<80xi32, #tpu.memory_space<vmem>>) semaphore(%dma_start3A_90 : memref<!tpu.dma_semaphore, #tpu.memory_space<semaphore_mem>>)
    %add3A_91 = arith.constant 0 : i32
    %add3A_92 = arith.addi %mul3A_2, %add3A_91 : i32
    %dma_start3A_93 = arith.constant 0 : i32
    %dma_start3A_94 = arith.constant 0 : i32
    %dma_start3A_95 = arith.constant 0 : i32
    %dma_start3A_96 = arith.constant 0 : i32
    %dma_start3A_97 = tpu.memref_slice %arg8[%dma_start3A_93, %dma_start3A_95, %dma_start3A_96] : memref<4x80x128xf32, #tpu.memory_space<vmem>> -> memref<1x80x128xf32, #tpu.memory_space<vmem>>
    %dma_start3A_98 = tpu.memref_squeeze %dma_start3A_97 : memref<1x80x128xf32, #tpu.memory_space<vmem>> -> memref<80x128xf32, #tpu.memory_space<vmem>>
    %dma_start3A_99 = arith.constant 0 : i32
    %dma_start3A_100 = tpu.memref_slice %arg2[%add3A_92, %dma_start3A_99] : memref<819200x128xf32, #tpu.memory_space<hbm>> -> memref<80x128xf32, #tpu.memory_space<hbm>>
    %dma_start3A_101 = tpu.memref_slice %arg11[%dma_start3A_94] : memref<4x!tpu.dma_semaphore, #tpu.memory_space<semaphore_mem>> -> memref<1x!tpu.dma_semaphore, #tpu.memory_space<semaphore_mem>>
    %dma_start3A_102 = tpu.memref_squeeze %dma_start3A_101 : memref<1x!tpu.dma_semaphore, #tpu.memory_space<semaphore_mem>> -> memref<!tpu.dma_semaphore, #tpu.memory_space<semaphore_mem>>
    %dma_start3A_103 = arith.constant 0 : i32
    %dma_start3A_104 = arith.constant 0 : i32
    %dma_start3A_105 = tpu.memref_slice %arg8[%dma_start3A_93, %dma_start3A_103, %dma_start3A_104] : memref<4x80x128xf32, #tpu.memory_space<vmem>> -> memref<1x80x128xf32, #tpu.memory_space<vmem>>
    %dma_start3A_106 = tpu.memref_squeeze %dma_start3A_105 : memref<1x80x128xf32, #tpu.memory_space<vmem>> -> memref<80x128xf32, #tpu.memory_space<vmem>>
    %dma_start3A_107 = arith.constant 0 : i32
    %dma_start3A_108 = tpu.memref_slice %arg2[%add3A_92, %dma_start3A_107] : memref<819200x128xf32, #tpu.memory_space<hbm>> -> memref<80x128xf32, #tpu.memory_space<hbm>>
    tpu.enqueue_dma source(%dma_start3A_108 : memref<80x128xf32, #tpu.memory_space<hbm>>) target(%dma_start3A_106 : memref<80x128xf32, #tpu.memory_space<vmem>>) target_semaphore(%dma_start3A_102 : memref<!tpu.dma_semaphore, #tpu.memory_space<semaphore_mem>>)
    %dma_wait3A_109 = arith.constant 1 : i32
    %dma_wait3A_110 = arith.constant 1 : i32
    %dma_wait3A_111 = arith.constant 0 : i32
    %dma_wait3A_112 = tpu.memref_slice %arg6[%dma_wait3A_109, %dma_wait3A_111] : memref<4x80xi32, #tpu.memory_space<vmem>> -> memref<1x80xi32, #tpu.memory_space<vmem>>
    %dma_wait3A_113 = tpu.memref_squeeze %dma_wait3A_112 : memref<1x80xi32, #tpu.memory_space<vmem>> -> memref<80xi32, #tpu.memory_space<vmem>>
    %dma_wait3A_114 = arith.constant 0 : i32
    %dma_wait3A_115 = tpu.memref_slice %arg3[%dma_wait3A_114] : memref<819200xi32, #tpu.memory_space<hbm>> -> memref<80xi32, #tpu.memory_space<hbm>>
    %dma_wait3A_116 = tpu.memref_slice %arg9[%dma_wait3A_110] : memref<4x!tpu.dma_semaphore, #tpu.memory_space<semaphore_mem>> -> memref<1x!tpu.dma_semaphore, #tpu.memory_space<semaphore_mem>>
    %dma_wait3A_117 = tpu.memref_squeeze %dma_wait3A_116 : memref<1x!tpu.dma_semaphore, #tpu.memory_space<semaphore_mem>> -> memref<!tpu.dma_semaphore, #tpu.memory_space<semaphore_mem>>
    %dma_wait3A_118 = arith.constant 0 : i32
    %dma_wait3A_119 = tpu.memref_slice %arg6[%dma_wait3A_109, %dma_wait3A_118] : memref<4x80xi32, #tpu.memory_space<vmem>> -> memref<1x80xi32, #tpu.memory_space<vmem>>
    %dma_wait3A_120 = tpu.memref_squeeze %dma_wait3A_119 : memref<1x80xi32, #tpu.memory_space<vmem>> -> memref<80xi32, #tpu.memory_space<vmem>>
    %dma_wait3A_121 = arith.constant 0 : i32
    %dma_wait3A_122 = tpu.memref_slice %arg3[%dma_wait3A_121] : memref<819200xi32, #tpu.memory_space<hbm>> -> memref<80xi32, #tpu.memory_space<hbm>>
    tpu.wait_dma2 semaphore(%dma_wait3A_117 : memref<!tpu.dma_semaphore, #tpu.memory_space<semaphore_mem>>) src(%dma_wait3A_122 : memref<80xi32, #tpu.memory_space<hbm>>) dst(%dma_wait3A_120 : memref<80xi32, #tpu.memory_space<vmem>>)
    %scan3A_123 = arith.constant 0 : i32
    %scan3A_124 = arith.constant 0 : i32
    %scan3A_125 = arith.constant 5 : i32
    %scan3A_126 = arith.addi %scan3A_124, %scan3A_125 : i32
    %scan3A_127 = arith.constant 1 : i32
    scf.for %scan3A_240 = %scan3A_124 to %scan3A_126 step %scan3A_127  : i32 {
      %mul3A_241 = arith.constant 16 : i32
      %mul3A_242 = arith.muli %scan3A_240, %mul3A_241 : i32
      %get3A = arith.constant 1 : i32
      %get3A_243 = arith.index_cast %get3A : i32 to index
      %get3A_244 = arith.index_cast %mul3A_242 : i32 to index
      %get3A_245 = tpu.vector_load %arg6[%get3A_243, %get3A_244] {strides = array<i32>} : memref<4x80xi32, #tpu.memory_space<vmem>>, vector<1x16xi32>,
      %get3A_246 = vector.shape_cast %get3A_245 : vector<1x16xi32> to vector<16xi32>
      %max3A = arith.constant 0 : i32
      %max3A_247 = vector.broadcast %max3A : i32 to vector<16xi32>
      %max3A_248 = arith.maxsi %get3A_246, %max3A_247 : vector<16xi32>
      %min3A = arith.constant 99999 : i32
      %min3A_249 = vector.broadcast %min3A : i32 to vector<16xi32>
      %min3A_250 = arith.minsi %max3A_248, %min3A_249 : vector<16xi32>
      %mul3A_251 = arith.constant 16 : i32
      %mul3A_252 = arith.muli %scan3A_240, %mul3A_251 : i32
      %swap3A = arith.constant 1 : i32
      %swap3A_253 = arith.index_cast %swap3A : i32 to index
      %swap3A_254 = arith.index_cast %mul3A_252 : i32 to index
      %swap3A_255 = tpu.vector_load %arg6[%swap3A_253, %swap3A_254] {strides = array<i32>} : memref<4x80xi32, #tpu.memory_space<vmem>>, vector<1x16xi32>,
      %swap3A_256 = vector.shape_cast %swap3A_255 : vector<1x16xi32> to vector<16xi32>
      %swap3A_257 = vector.shape_cast %min3A_250 : vector<16xi32> to vector<1x16xi32>
      tpu.vector_store %arg6[%swap3A_253, %swap3A_254], %swap3A_257 {strides = array<i32>} : memref<4x80xi32, #tpu.memory_space<vmem>>, vector<1x16xi32>,
    }
    %scan3A_128 = arith.constant 5 : i32
    %dma_start3A_129 = arith.constant 1 : i32
    %dma_start3A_130 = arith.constant 1 : i32
    %dma_start3A_131 = arith.constant 1 : i32
    %dma_start3A_132 = arith.constant 0 : i32
    %dma_start3A_133 = arith.constant 0 : i32
    %dma_start3A_134 = tpu.memref_slice %arg7[%dma_start3A_130, %dma_start3A_132, %dma_start3A_133] : memref<4x80x128xf32, #tpu.memory_space<vmem>> -> memref<1x80x128xf32, #tpu.memory_space<vmem>>
    %dma_start3A_135 = tpu.memref_squeeze %dma_start3A_134 : memref<1x80x128xf32, #tpu.memory_space<vmem>> -> memref<80x128xf32, #tpu.memory_space<vmem>>
    %dma_start3A_136 = arith.constant 0 : i32
    %dma_start3A_137 = tpu.memref_slice %arg6[%dma_start3A_129, %dma_start3A_136] : memref<4x80xi32, #tpu.memory_space<vmem>> -> memref<1x80xi32, #tpu.memory_space<vmem>>
    %dma_start3A_138 = tpu.memref_squeeze %dma_start3A_137 : memref<1x80xi32, #tpu.memory_space<vmem>> -> memref<80xi32, #tpu.memory_space<vmem>>
    %dma_start3A_139 = arith.constant 0 : i32
    %dma_start3A_140 = arith.constant 0 : i32
    %dma_start3A_141 = tpu.memref_slice %arg4[%dma_start3A_139, %dma_start3A_140] : memref<100000x128xf32, #tpu.memory_space<hbm>> -> memref<100000x128xf32, #tpu.memory_space<hbm>>
    %dma_start3A_142 = tpu.memref_slice %arg10[%dma_start3A_131] : memref<4x!tpu.dma_semaphore, #tpu.memory_space<semaphore_mem>> -> memref<1x!tpu.dma_semaphore, #tpu.memory_space<semaphore_mem>>
    %dma_start3A_143 = tpu.memref_squeeze %dma_start3A_142 : memref<1x!tpu.dma_semaphore, #tpu.memory_space<semaphore_mem>> -> memref<!tpu.dma_semaphore, #tpu.memory_space<semaphore_mem>>
    tpu.enqueue_indirect_dma source(%dma_start3A_141 : memref<100000x128xf32, #tpu.memory_space<hbm>>) target(%dma_start3A_135 : memref<80x128xf32, #tpu.memory_space<vmem>>) offsets(%dma_start3A_138 : memref<80xi32, #tpu.memory_space<vmem>>) semaphore(%dma_start3A_143 : memref<!tpu.dma_semaphore, #tpu.memory_space<semaphore_mem>>)
    %add3A_144 = arith.constant 80 : i32
    %add3A_145 = arith.addi %mul3A_2, %add3A_144 : i32
    %dma_start3A_146 = arith.constant 1 : i32
    %dma_start3A_147 = arith.constant 1 : i32
    %dma_start3A_148 = arith.constant 0 : i32
    %dma_start3A_149 = arith.constant 0 : i32
    %dma_start3A_150 = tpu.memref_slice %arg8[%dma_start3A_146, %dma_start3A_148, %dma_start3A_149] : memref<4x80x128xf32, #tpu.memory_space<vmem>> -> memref<1x80x128xf32, #tpu.memory_space<vmem>>
    %dma_start3A_151 = tpu.memref_squeeze %dma_start3A_150 : memref<1x80x128xf32, #tpu.memory_space<vmem>> -> memref<80x128xf32, #tpu.memory_space<vmem>>
    %dma_start3A_152 = arith.constant 0 : i32
    %dma_start3A_153 = tpu.memref_slice %arg2[%add3A_145, %dma_start3A_152] : memref<819200x128xf32, #tpu.memory_space<hbm>> -> memref<80x128xf32, #tpu.memory_space<hbm>>
    %dma_start3A_154 = tpu.memref_slice %arg11[%dma_start3A_147] : memref<4x!tpu.dma_semaphore, #tpu.memory_space<semaphore_mem>> -> memref<1x!tpu.dma_semaphore, #tpu.memory_space<semaphore_mem>>
    %dma_start3A_155 = tpu.memref_squeeze %dma_start3A_154 : memref<1x!tpu.dma_semaphore, #tpu.memory_space<semaphore_mem>> -> memref<!tpu.dma_semaphore, #tpu.memory_space<semaphore_mem>>
    %dma_start3A_156 = arith.constant 0 : i32
    %dma_start3A_157 = arith.constant 0 : i32
    %dma_start3A_158 = tpu.memref_slice %arg8[%dma_start3A_146, %dma_start3A_156, %dma_start3A_157] : memref<4x80x128xf32, #tpu.memory_space<vmem>> -> memref<1x80x128xf32, #tpu.memory_space<vmem>>
    %dma_start3A_159 = tpu.memref_squeeze %dma_start3A_158 : memref<1x80x128xf32, #tpu.memory_space<vmem>> -> memref<80x128xf32, #tpu.memory_space<vmem>>
    %dma_start3A_160 = arith.constant 0 : i32
    %dma_start3A_161 = tpu.memref_slice %arg2[%add3A_145, %dma_start3A_160] : memref<819200x128xf32, #tpu.memory_space<hbm>> -> memref<80x128xf32, #tpu.memory_space<hbm>>
    tpu.enqueue_dma source(%dma_start3A_161 : memref<80x128xf32, #tpu.memory_space<hbm>>) target(%dma_start3A_159 : memref<80x128xf32, #tpu.memory_space<vmem>>) target_semaphore(%dma_start3A_155 : memref<!tpu.dma_semaphore, #tpu.memory_space<semaphore_mem>>)
    %scan3A_162 = arith.constant 0 : i32
    %scan3A_163 = arith.constant 0 : i32
    %scan3A_164 = arith.constant 80 : i32
    %scan3A_165 = arith.addi %scan3A_163, %scan3A_164 : i32
    %scan3A_166 = arith.constant 1 : i32
    scf.for %scan3A_240 = %scan3A_163 to %scan3A_165 step %scan3A_166  : i32 {
      %mul3A_241 = arith.constant 4 : i32
      %mul3A_242 = arith.muli %scan3A_240, %mul3A_241 : i32
      %add3A_243 = arith.constant 0 : i32
      %add3A_244 = arith.addi %mul3A_242, %add3A_243 : i32
      %add3A_245 = arith.constant 2 : i32
      %add3A_246 = arith.addi %add3A_244, %add3A_245 : i32
      %lt3A = arith.constant 320 : i32
      %lt3A_247 = arith.cmpi slt, %add3A_246, %lt3A : i32
      %convert_element_type3A = arith.extui %lt3A_247 : i1 to i32
      %cond3A = arith.constant 0 : i32
      %cond3A_248 = arith.cmpi ne, %convert_element_type3A, %cond3A : i32
      scf.if %cond3A_248 {
        %ge3A = arith.constant 2 : i32
        %ge3A_536 = arith.cmpi sge, %add3A_244, %ge3A : i32
        %convert_element_type3A_537 = arith.extui %ge3A_536 : i1 to i32
        %cond3A_538 = arith.constant 0 : i32
        %cond3A_539 = arith.cmpi ne, %convert_element_type3A_537, %cond3A_538 : i32
        scf.if %cond3A_539 {
          %dma_wait3A_596 = arith.constant 2 : i32
          %dma_wait3A_597 = arith.constant 2 : i32
          %dma_wait3A_598 = arith.constant 0 : i32
          %dma_wait3A_599 = arith.constant 0 : i32
          %dma_wait3A_600 = tpu.memref_slice %arg7[%dma_wait3A_596, %dma_wait3A_598, %dma_wait3A_599] : memref<4x80x128xf32, #tpu.memory_space<vmem>> -> memref<1x80x128xf32, #tpu.memory_space<vmem>>
          %dma_wait3A_601 = tpu.memref_squeeze %dma_wait3A_600 : memref<1x80x128xf32, #tpu.memory_space<vmem>> -> memref<80x128xf32, #tpu.memory_space<vmem>>
          %dma_wait3A_602 = arith.constant 0 : i32
          %dma_wait3A_603 = arith.constant 0 : i32
          %dma_wait3A_604 = tpu.memref_slice %arg5[%dma_wait3A_602, %dma_wait3A_603] : memref<819200x128xf32, #tpu.memory_space<hbm>> -> memref<80x128xf32, #tpu.memory_space<hbm>>
          %dma_wait3A_605 = tpu.memref_slice %arg12[%dma_wait3A_597] : memref<4x!tpu.dma_semaphore, #tpu.memory_space<semaphore_mem>> -> memref<1x!tpu.dma_semaphore, #tpu.memory_space<semaphore_mem>>
          %dma_wait3A_606 = tpu.memref_squeeze %dma_wait3A_605 : memref<1x!tpu.dma_semaphore, #tpu.memory_space<semaphore_mem>> -> memref<!tpu.dma_semaphore, #tpu.memory_space<semaphore_mem>>
          %dma_wait3A_607 = arith.constant 0 : i32
          %dma_wait3A_608 = arith.constant 0 : i32
          %dma_wait3A_609 = tpu.memref_slice %arg5[%dma_wait3A_607, %dma_wait3A_608] : memref<819200x128xf32, #tpu.memory_space<hbm>> -> memref<80x128xf32, #tpu.memory_space<hbm>>
          %dma_wait3A_610 = arith.constant 0 : i32
          %dma_wait3A_611 = arith.constant 0 : i32
          %dma_wait3A_612 = tpu.memref_slice %arg7[%dma_wait3A_596, %dma_wait3A_610, %dma_wait3A_611] : memref<4x80x128xf32, #tpu.memory_space<vmem>> -> memref<1x80x128xf32, #tpu.memory_space<vmem>>
          %dma_wait3A_613 = tpu.memref_squeeze %dma_wait3A_612 : memref<1x80x128xf32, #tpu.memory_space<vmem>> -> memref<80x128xf32, #tpu.memory_space<vmem>>
          tpu.wait_dma2 semaphore(%dma_wait3A_606 : memref<!tpu.dma_semaphore, #tpu.memory_space<semaphore_mem>>) src(%dma_wait3A_613 : memref<80x128xf32, #tpu.memory_space<vmem>>) dst(%dma_wait3A_609 : memref<80x128xf32, #tpu.memory_space<hbm>>)
        } else {
        }
        %dma_wait3A_540 = arith.constant 2 : i32
        %dma_wait3A_541 = arith.constant 2 : i32
        %dma_wait3A_542 = arith.constant 0 : i32
        %dma_wait3A_543 = tpu.memref_slice %arg6[%dma_wait3A_540, %dma_wait3A_542] : memref<4x80xi32, #tpu.memory_space<vmem>> -> memref<1x80xi32, #tpu.memory_space<vmem>>
        %dma_wait3A_544 = tpu.memref_squeeze %dma_wait3A_543 : memref<1x80xi32, #tpu.memory_space<vmem>> -> memref<80xi32, #tpu.memory_space<vmem>>
        %dma_wait3A_545 = arith.constant 0 : i32
        %dma_wait3A_546 = tpu.memref_slice %arg3[%dma_wait3A_545] : memref<819200xi32, #tpu.memory_space<hbm>> -> memref<80xi32, #tpu.memory_space<hbm>>
        %dma_wait3A_547 = tpu.memref_slice %arg9[%dma_wait3A_541] : memref<4x!tpu.dma_semaphore, #tpu.memory_space<semaphore_mem>> -> memref<1x!tpu.dma_semaphore, #tpu.memory_space<semaphore_mem>>
        %dma_wait3A_548 = tpu.memref_squeeze %dma_wait3A_547 : memref<1x!tpu.dma_semaphore, #tpu.memory_space<semaphore_mem>> -> memref<!tpu.dma_semaphore, #tpu.memory_space<semaphore_mem>>
        %dma_wait3A_549 = arith.constant 0 : i32
        %dma_wait3A_550 = tpu.memref_slice %arg6[%dma_wait3A_540, %dma_wait3A_549] : memref<4x80xi32, #tpu.memory_space<vmem>> -> memref<1x80xi32, #tpu.memory_space<vmem>>
        %dma_wait3A_551 = tpu.memref_squeeze %dma_wait3A_550 : memref<1x80xi32, #tpu.memory_space<vmem>> -> memref<80xi32, #tpu.memory_space<vmem>>
        %dma_wait3A_552 = arith.constant 0 : i32
        %dma_wait3A_553 = tpu.memref_slice %arg3[%dma_wait3A_552] : memref<819200xi32, #tpu.memory_space<hbm>> -> memref<80xi32, #tpu.memory_space<hbm>>
        tpu.wait_dma2 semaphore(%dma_wait3A_548 : memref<!tpu.dma_semaphore, #tpu.memory_space<semaphore_mem>>) src(%dma_wait3A_553 : memref<80xi32, #tpu.memory_space<hbm>>) dst(%dma_wait3A_551 : memref<80xi32, #tpu.memory_space<vmem>>)
        %scan3A_554 = arith.constant 0 : i32
        %scan3A_555 = arith.constant 0 : i32
        %scan3A_556 = arith.constant 5 : i32
        %scan3A_557 = arith.addi %scan3A_555, %scan3A_556 : i32
        %scan3A_558 = arith.constant 1 : i32
        scf.for %scan3A_596 = %scan3A_555 to %scan3A_557 step %scan3A_558  : i32 {
          %mul3A_597 = arith.constant 16 : i32
          %mul3A_598 = arith.muli %scan3A_596, %mul3A_597 : i32
          %get3A = arith.constant 2 : i32
          %get3A_599 = arith.index_cast %get3A : i32 to index
          %get3A_600 = arith.index_cast %mul3A_598 : i32 to index
          %get3A_601 = tpu.vector_load %arg6[%get3A_599, %get3A_600] {strides = array<i32>} : memref<4x80xi32, #tpu.memory_space<vmem>>, vector<1x16xi32>,
          %get3A_602 = vector.shape_cast %get3A_601 : vector<1x16xi32> to vector<16xi32>
          %max3A = arith.constant 0 : i32
          %max3A_603 = vector.broadcast %max3A : i32 to vector<16xi32>
          %max3A_604 = arith.maxsi %get3A_602, %max3A_603 : vector<16xi32>
          %min3A = arith.constant 99999 : i32
          %min3A_605 = vector.broadcast %min3A : i32 to vector<16xi32>
          %min3A_606 = arith.minsi %max3A_604, %min3A_605 : vector<16xi32>
          %mul3A_607 = arith.constant 16 : i32
          %mul3A_608 = arith.muli %scan3A_596, %mul3A_607 : i32
          %swap3A = arith.constant 2 : i32
          %swap3A_609 = arith.index_cast %swap3A : i32 to index
          %swap3A_610 = arith.index_cast %mul3A_608 : i32 to index
          %swap3A_611 = tpu.vector_load %arg6[%swap3A_609, %swap3A_610] {strides = array<i32>} : memref<4x80xi32, #tpu.memory_space<vmem>>, vector<1x16xi32>,
          %swap3A_612 = vector.shape_cast %swap3A_611 : vector<1x16xi32> to vector<16xi32>
          %swap3A_613 = vector.shape_cast %min3A_606 : vector<16xi32> to vector<1x16xi32>
          tpu.vector_store %arg6[%swap3A_609, %swap3A_610], %swap3A_613 {strides = array<i32>} : memref<4x80xi32, #tpu.memory_space<vmem>>, vector<1x16xi32>,
        }
        %scan3A_559 = arith.constant 5 : i32
        %add3A_560 = arith.constant 2 : i32
        %add3A_561 = arith.addi %add3A_244, %add3A_560 : i32
        %dma_start3A_562 = arith.constant 2 : i32
        %dma_start3A_563 = arith.constant 2 : i32
        %dma_start3A_564 = arith.constant 2 : i32
        %dma_start3A_565 = arith.constant 0 : i32
        %dma_start3A_566 = arith.constant 0 : i32
        %dma_start3A_567 = tpu.memref_slice %arg7[%dma_start3A_563, %dma_start3A_565, %dma_start3A_566] : memref<4x80x128xf32, #tpu.memory_space<vmem>> -> memref<1x80x128xf32, #tpu.memory_space<vmem>>
        %dma_start3A_568 = tpu.memref_squeeze %dma_start3A_567 : memref<1x80x128xf32, #tpu.memory_space<vmem>> -> memref<80x128xf32, #tpu.memory_space<vmem>>
        %dma_start3A_569 = arith.constant 0 : i32
        %dma_start3A_570 = tpu.memref_slice %arg6[%dma_start3A_562, %dma_start3A_569] : memref<4x80xi32, #tpu.memory_space<vmem>> -> memref<1x80xi32, #tpu.memory_space<vmem>>
        %dma_start3A_571 = tpu.memref_squeeze %dma_start3A_570 : memref<1x80xi32, #tpu.memory_space<vmem>> -> memref<80xi32, #tpu.memory_space<vmem>>
        %dma_start3A_572 = arith.constant 0 : i32
        %dma_start3A_573 = arith.constant 0 : i32
        %dma_start3A_574 = tpu.memref_slice %arg4[%dma_start3A_572, %dma_start3A_573] : memref<100000x128xf32, #tpu.memory_space<hbm>> -> memref<100000x128xf32, #tpu.memory_space<hbm>>
        %dma_start3A_575 = tpu.memref_slice %arg10[%dma_start3A_564] : memref<4x!tpu.dma_semaphore, #tpu.memory_space<semaphore_mem>> -> memref<1x!tpu.dma_semaphore, #tpu.memory_space<semaphore_mem>>
        %dma_start3A_576 = tpu.memref_squeeze %dma_start3A_575 : memref<1x!tpu.dma_semaphore, #tpu.memory_space<semaphore_mem>> -> memref<!tpu.dma_semaphore, #tpu.memory_space<semaphore_mem>>
        tpu.enqueue_indirect_dma source(%dma_start3A_574 : memref<100000x128xf32, #tpu.memory_space<hbm>>) target(%dma_start3A_568 : memref<80x128xf32, #tpu.memory_space<vmem>>) offsets(%dma_start3A_571 : memref<80xi32, #tpu.memory_space<vmem>>) semaphore(%dma_start3A_576 : memref<!tpu.dma_semaphore, #tpu.memory_space<semaphore_mem>>)
        %mul3A_577 = arith.constant 80 : i32
        %mul3A_578 = arith.muli %add3A_561, %mul3A_577 : i32
        %add3A_579 = arith.addi %mul3A_2, %mul3A_578 : i32
        %dma_start3A_580 = arith.constant 2 : i32
        %dma_start3A_581 = arith.constant 2 : i32
        %dma_start3A_582 = arith.constant 0 : i32
        %dma_start3A_583 = arith.constant 0 : i32
        %dma_start3A_584 = tpu.memref_slice %arg8[%dma_start3A_580, %dma_start3A_582, %dma_start3A_583] : memref<4x80x128xf32, #tpu.memory_space<vmem>> -> memref<1x80x128xf32, #tpu.memory_space<vmem>>
        %dma_start3A_585 = tpu.memref_squeeze %dma_start3A_584 : memref<1x80x128xf32, #tpu.memory_space<vmem>> -> memref<80x128xf32, #tpu.memory_space<vmem>>
        %dma_start3A_586 = arith.constant 0 : i32
        %dma_start3A_587 = tpu.memref_slice %arg2[%add3A_579, %dma_start3A_586] : memref<819200x128xf32, #tpu.memory_space<hbm>> -> memref<80x128xf32, #tpu.memory_space<hbm>>
        %dma_start3A_588 = tpu.memref_slice %arg11[%dma_start3A_581] : memref<4x!tpu.dma_semaphore, #tpu.memory_space<semaphore_mem>> -> memref<1x!tpu.dma_semaphore, #tpu.memory_space<semaphore_mem>>
        %dma_start3A_589 = tpu.memref_squeeze %dma_start3A_588 : memref<1x!tpu.dma_semaphore, #tpu.memory_space<semaphore_mem>> -> memref<!tpu.dma_semaphore, #tpu.memory_space<semaphore_mem>>
        %dma_start3A_590 = arith.constant 0 : i32
        %dma_start3A_591 = arith.constant 0 : i32
        %dma_start3A_592 = tpu.memref_slice %arg8[%dma_start3A_580, %dma_start3A_590, %dma_start3A_591] : memref<4x80x128xf32, #tpu.memory_space<vmem>> -> memref<1x80x128xf32, #tpu.memory_space<vmem>>
        %dma_start3A_593 = tpu.memref_squeeze %dma_start3A_592 : memref<1x80x128xf32, #tpu.memory_space<vmem>> -> memref<80x128xf32, #tpu.memory_space<vmem>>
        %dma_start3A_594 = arith.constant 0 : i32
        %dma_start3A_595 = tpu.memref_slice %arg2[%add3A_579, %dma_start3A_594] : memref<819200x128xf32, #tpu.memory_space<hbm>> -> memref<80x128xf32, #tpu.memory_space<hbm>>
        tpu.enqueue_dma source(%dma_start3A_595 : memref<80x128xf32, #tpu.memory_space<hbm>>) target(%dma_start3A_593 : memref<80x128xf32, #tpu.memory_space<vmem>>) target_semaphore(%dma_start3A_589 : memref<!tpu.dma_semaphore, #tpu.memory_space<semaphore_mem>>)
      } else {
      }
      %dma_wait3A_249 = arith.constant 0 : i32
      %dma_wait3A_250 = arith.constant 0 : i32
      %dma_wait3A_251 = arith.constant 0 : i32
      %dma_wait3A_252 = arith.constant 0 : i32
      %dma_wait3A_253 = arith.constant 0 : i32
      %dma_wait3A_254 = tpu.memref_slice %arg7[%dma_wait3A_250, %dma_wait3A_252, %dma_wait3A_253] : memref<4x80x128xf32, #tpu.memory_space<vmem>> -> memref<1x80x128xf32, #tpu.memory_space<vmem>>
      %dma_wait3A_255 = tpu.memref_squeeze %dma_wait3A_254 : memref<1x80x128xf32, #tpu.memory_space<vmem>> -> memref<80x128xf32, #tpu.memory_space<vmem>>
      %dma_wait3A_256 = arith.constant 0 : i32
      %dma_wait3A_257 = tpu.memref_slice %arg6[%dma_wait3A_249, %dma_wait3A_256] : memref<4x80xi32, #tpu.memory_space<vmem>> -> memref<1x80xi32, #tpu.memory_space<vmem>>
      %dma_wait3A_258 = tpu.memref_squeeze %dma_wait3A_257 : memref<1x80xi32, #tpu.memory_space<vmem>> -> memref<80xi32, #tpu.memory_space<vmem>>
      %dma_wait3A_259 = arith.constant 0 : i32
      %dma_wait3A_260 = arith.constant 0 : i32
      %dma_wait3A_261 = tpu.memref_slice %arg4[%dma_wait3A_259, %dma_wait3A_260] : memref<100000x128xf32, #tpu.memory_space<hbm>> -> memref<100000x128xf32, #tpu.memory_space<hbm>>
      %dma_wait3A_262 = tpu.memref_slice %arg10[%dma_wait3A_251] : memref<4x!tpu.dma_semaphore, #tpu.memory_space<semaphore_mem>> -> memref<1x!tpu.dma_semaphore, #tpu.memory_space<semaphore_mem>>
      %dma_wait3A_263 = tpu.memref_squeeze %dma_wait3A_262 : memref<1x!tpu.dma_semaphore, #tpu.memory_space<semaphore_mem>> -> memref<!tpu.dma_semaphore, #tpu.memory_space<semaphore_mem>>
      tpu.wait_indirect_dma semaphore(%dma_wait3A_263 : memref<!tpu.dma_semaphore, #tpu.memory_space<semaphore_mem>>) src(%dma_wait3A_261 : memref<100000x128xf32, #tpu.memory_space<hbm>>) dst(%dma_wait3A_255 : memref<80x128xf32, #tpu.memory_space<vmem>>)
      %dma_wait3A_264 = arith.constant 0 : i32
      %dma_wait3A_265 = arith.constant 0 : i32
      %dma_wait3A_266 = arith.constant 0 : i32
      %dma_wait3A_267 = arith.constant 0 : i32
      %dma_wait3A_268 = tpu.memref_slice %arg8[%dma_wait3A_264, %dma_wait3A_266, %dma_wait3A_267] : memref<4x80x128xf32, #tpu.memory_space<vmem>> -> memref<1x80x128xf32, #tpu.memory_space<vmem>>
      %dma_wait3A_269 = tpu.memref_squeeze %dma_wait3A_268 : memref<1x80x128xf32, #tpu.memory_space<vmem>> -> memref<80x128xf32, #tpu.memory_space<vmem>>
      %dma_wait3A_270 = arith.constant 0 : i32
      %dma_wait3A_271 = arith.constant 0 : i32
      %dma_wait3A_272 = tpu.memref_slice %arg2[%dma_wait3A_270, %dma_wait3A_271] : memref<819200x128xf32, #tpu.memory_space<hbm>> -> memref<80x128xf32, #tpu.memory_space<hbm>>
      %dma_wait3A_273 = tpu.memref_slice %arg11[%dma_wait3A_265] : memref<4x!tpu.dma_semaphore, #tpu.memory_space<semaphore_mem>> -> memref<1x!tpu.dma_semaphore, #tpu.memory_space<semaphore_mem>>
      %dma_wait3A_274 = tpu.memref_squeeze %dma_wait3A_273 : memref<1x!tpu.dma_semaphore, #tpu.memory_space<semaphore_mem>> -> memref<!tpu.dma_semaphore, #tpu.memory_space<semaphore_mem>>
      %dma_wait3A_275 = arith.constant 0 : i32
      %dma_wait3A_276 = arith.constant 0 : i32
      %dma_wait3A_277 = tpu.memref_slice %arg8[%dma_wait3A_264, %dma_wait3A_275, %dma_wait3A_276] : memref<4x80x128xf32, #tpu.memory_space<vmem>> -> memref<1x80x128xf32, #tpu.memory_space<vmem>>
      %dma_wait3A_278 = tpu.memref_squeeze %dma_wait3A_277 : memref<1x80x128xf32, #tpu.memory_space<vmem>> -> memref<80x128xf32, #tpu.memory_space<vmem>>
      %dma_wait3A_279 = arith.constant 0 : i32
      %dma_wait3A_280 = arith.constant 0 : i32
      %dma_wait3A_281 = tpu.memref_slice %arg2[%dma_wait3A_279, %dma_wait3A_280] : memref<819200x128xf32, #tpu.memory_space<hbm>> -> memref<80x128xf32, #tpu.memory_space<hbm>>
      tpu.wait_dma2 semaphore(%dma_wait3A_274 : memref<!tpu.dma_semaphore, #tpu.memory_space<semaphore_mem>>) src(%dma_wait3A_281 : memref<80x128xf32, #tpu.memory_space<hbm>>) dst(%dma_wait3A_278 : memref<80x128xf32, #tpu.memory_space<vmem>>)
      %add3A_282 = arith.constant 4 : i32
      %add3A_283 = arith.addi %add3A_244, %add3A_282 : i32
      %lt3A_284 = arith.constant 320 : i32
      %lt3A_285 = arith.cmpi slt, %add3A_283, %lt3A_284 : i32
      %convert_element_type3A_286 = arith.extui %lt3A_285 : i1 to i32
      %cond3A_287 = arith.constant 0 : i32
      %cond3A_288 = arith.cmpi ne, %convert_element_type3A_286, %cond3A_287 : i32
      scf.if %cond3A_288 {
        %add3A_536 = arith.constant 4 : i32
        %add3A_537 = arith.addi %add3A_244, %add3A_536 : i32
        %mul3A_538 = arith.constant 80 : i32
        %mul3A_539 = arith.muli %add3A_537, %mul3A_538 : i32
        %add3A_540 = arith.addi %mul3A_2, %mul3A_539 : i32
        %dma_start3A_541 = arith.constant 0 : i32
        %dma_start3A_542 = arith.constant 0 : i32
        %dma_start3A_543 = arith.constant 0 : i32
        %dma_start3A_544 = tpu.memref_slice %arg6[%dma_start3A_541, %dma_start3A_543] : memref<4x80xi32, #tpu.memory_space<vmem>> -> memref<1x80xi32, #tpu.memory_space<vmem>>
        %dma_start3A_545 = tpu.memref_squeeze %dma_start3A_544 : memref<1x80xi32, #tpu.memory_space<vmem>> -> memref<80xi32, #tpu.memory_space<vmem>>
        %dma_start3A_546 = tpu.memref_slice %arg3[%add3A_540] : memref<819200xi32, #tpu.memory_space<hbm>> -> memref<80xi32, #tpu.memory_space<hbm>>
        %dma_start3A_547 = tpu.memref_slice %arg9[%dma_start3A_542] : memref<4x!tpu.dma_semaphore, #tpu.memory_space<semaphore_mem>> -> memref<1x!tpu.dma_semaphore, #tpu.memory_space<semaphore_mem>>
        %dma_start3A_548 = tpu.memref_squeeze %dma_start3A_547 : memref<1x!tpu.dma_semaphore, #tpu.memory_space<semaphore_mem>> -> memref<!tpu.dma_semaphore, #tpu.memory_space<semaphore_mem>>
        %dma_start3A_549 = arith.constant 0 : i32
        %dma_start3A_550 = tpu.memref_slice %arg6[%dma_start3A_541, %dma_start3A_549] : memref<4x80xi32, #tpu.memory_space<vmem>> -> memref<1x80xi32, #tpu.memory_space<vmem>>
        %dma_start3A_551 = tpu.memref_squeeze %dma_start3A_550 : memref<1x80xi32, #tpu.memory_space<vmem>> -> memref<80xi32, #tpu.memory_space<vmem>>
        %dma_start3A_552 = tpu.memref_slice %arg3[%add3A_540] : memref<819200xi32, #tpu.memory_space<hbm>> -> memref<80xi32, #tpu.memory_space<hbm>>
        tpu.enqueue_dma source(%dma_start3A_552 : memref<80xi32, #tpu.memory_space<hbm>>) target(%dma_start3A_551 : memref<80xi32, #tpu.memory_space<vmem>>) target_semaphore(%dma_start3A_548 : memref<!tpu.dma_semaphore, #tpu.memory_space<semaphore_mem>>)
      } else {
      }
      %scan3A_289 = arith.constant 0 : i32
      %scan3A_290 = arith.constant 0 : i32
      %scan3A_291 = arith.constant 80 : i32
      %scan3A_292 = arith.addi %scan3A_290, %scan3A_291 : i32
      %scan3A_293 = arith.constant 1 : i32
      scf.for %scan3A_536 = %scan3A_290 to %scan3A_292 step %scan3A_293  : i32 {
        %get3A = arith.constant 0 : i32
        %get3A_537 = arith.index_cast %get3A : i32 to index
        %get3A_538 = arith.index_cast %scan3A_536 : i32 to index
        %get3A_539 = arith.constant 0 : index
        %get3A_540 = tpu.vector_load %arg8[%get3A_537, %get3A_538, %get3A_539] {strides = array<i32>} : memref<4x80x128xf32, #tpu.memory_space<vmem>>, vector<1x1x16xf32>,
        %get3A_541 = vector.shape_cast %get3A_540 : vector<1x1x16xf32> to vector<16xf32>
        %swap3A = arith.constant 0 : i32
        %swap3A_542 = arith.index_cast %swap3A : i32 to index
        %swap3A_543 = arith.index_cast %scan3A_536 : i32 to index
        %swap3A_544 = arith.constant 0 : index
        %swap3A_545 = tpu.vector_load %arg7[%swap3A_542, %swap3A_543, %swap3A_544] {strides = array<i32>} : memref<4x80x128xf32, #tpu.memory_space<vmem>>, vector<1x1x16xf32>,
        %swap3A_546 = vector.shape_cast %swap3A_545 : vector<1x1x16xf32> to vector<16xf32>
        %swap3A_547 = vector.shape_cast %get3A_541 : vector<16xf32> to vector<1x1x16xf32>
        tpu.vector_store %arg7[%swap3A_542, %swap3A_543, %swap3A_544], %swap3A_547 {add = true, strides = array<i32>} : memref<4x80x128xf32, #tpu.memory_space<vmem>>, vector<1x1x16xf32>,
        %get3A_548 = arith.constant 0 : i32
        %get3A_549 = arith.index_cast %get3A_548 : i32 to index
        %get3A_550 = arith.index_cast %scan3A_536 : i32 to index
        %get3A_551 = arith.constant 16 : index
        %get3A_552 = tpu.vector_load %arg8[%get3A_549, %get3A_550, %get3A_551] {strides = array<i32>} : memref<4x80x128xf32, #tpu.memory_space<vmem>>, vector<1x1x16xf32>,
        %get3A_553 = vector.shape_cast %get3A_552 : vector<1x1x16xf32> to vector<16xf32>
        %swap3A_554 = arith.constant 0 : i32
        %swap3A_555 = arith.index_cast %swap3A_554 : i32 to index
        %swap3A_556 = arith.index_cast %scan3A_536 : i32 to index
        %swap3A_557 = arith.constant 16 : index
        %swap3A_558 = tpu.vector_load %arg7[%swap3A_555, %swap3A_556, %swap3A_557] {strides = array<i32>} : memref<4x80x128xf32, #tpu.memory_space<vmem>>, vector<1x1x16xf32>,
        %swap3A_559 = vector.shape_cast %swap3A_558 : vector<1x1x16xf32> to vector<16xf32>
        %swap3A_560 = vector.shape_cast %get3A_553 : vector<16xf32> to vector<1x1x16xf32>
        tpu.vector_store %arg7[%swap3A_555, %swap3A_556, %swap3A_557], %swap3A_560 {add = true, strides = array<i32>} : memref<4x80x128xf32, #tpu.memory_space<vmem>>, vector<1x1x16xf32>,
        %get3A_561 = arith.constant 0 : i32
        %get3A_562 = arith.index_cast %get3A_561 : i32 to index
        %get3A_563 = arith.index_cast %scan3A_536 : i32 to index
        %get3A_564 = arith.constant 32 : index
        %get3A_565 = tpu.vector_load %arg8[%get3A_562, %get3A_563, %get3A_564] {strides = array<i32>} : memref<4x80x128xf32, #tpu.memory_space<vmem>>, vector<1x1x16xf32>,
        %get3A_566 = vector.shape_cast %get3A_565 : vector<1x1x16xf32> to vector<16xf32>
        %swap3A_567 = arith.constant 0 : i32
        %swap3A_568 = arith.index_cast %swap3A_567 : i32 to index
        %swap3A_569 = arith.index_cast %scan3A_536 : i32 to index
        %swap3A_570 = arith.constant 32 : index
        %swap3A_571 = tpu.vector_load %arg7[%swap3A_568, %swap3A_569, %swap3A_570] {strides = array<i32>} : memref<4x80x128xf32, #tpu.memory_space<vmem>>, vector<1x1x16xf32>,
        %swap3A_572 = vector.shape_cast %swap3A_571 : vector<1x1x16xf32> to vector<16xf32>
        %swap3A_573 = vector.shape_cast %get3A_566 : vector<16xf32> to vector<1x1x16xf32>
        tpu.vector_store %arg7[%swap3A_568, %swap3A_569, %swap3A_570], %swap3A_573 {add = true, strides = array<i32>} : memref<4x80x128xf32, #tpu.memory_space<vmem>>, vector<1x1x16xf32>,
        %get3A_574 = arith.constant 0 : i32
        %get3A_575 = arith.index_cast %get3A_574 : i32 to index
        %get3A_576 = arith.index_cast %scan3A_536 : i32 to index
        %get3A_577 = arith.constant 48 : index
        %get3A_578 = tpu.vector_load %arg8[%get3A_575, %get3A_576, %get3A_577] {strides = array<i32>} : memref<4x80x128xf32, #tpu.memory_space<vmem>>, vector<1x1x16xf32>,
        %get3A_579 = vector.shape_cast %get3A_578 : vector<1x1x16xf32> to vector<16xf32>
        %swap3A_580 = arith.constant 0 : i32
        %swap3A_581 = arith.index_cast %swap3A_580 : i32 to index
        %swap3A_582 = arith.index_cast %scan3A_536 : i32 to index
        %swap3A_583 = arith.constant 48 : index
        %swap3A_584 = tpu.vector_load %arg7[%swap3A_581, %swap3A_582, %swap3A_583] {strides = array<i32>} : memref<4x80x128xf32, #tpu.memory_space<vmem>>, vector<1x1x16xf32>,
        %swap3A_585 = vector.shape_cast %swap3A_584 : vector<1x1x16xf32> to vector<16xf32>
        %swap3A_586 = vector.shape_cast %get3A_579 : vector<16xf32> to vector<1x1x16xf32>
        tpu.vector_store %arg7[%swap3A_581, %swap3A_582, %swap3A_583], %swap3A_586 {add = true, strides = array<i32>} : memref<4x80x128xf32, #tpu.memory_space<vmem>>, vector<1x1x16xf32>,
        %get3A_587 = arith.constant 0 : i32
        %get3A_588 = arith.index_cast %get3A_587 : i32 to index
        %get3A_589 = arith.index_cast %scan3A_536 : i32 to index
        %get3A_590 = arith.constant 64 : index
        %get3A_591 = tpu.vector_load %arg8[%get3A_588, %get3A_589, %get3A_590] {strides = array<i32>} : memref<4x80x128xf32, #tpu.memory_space<vmem>>, vector<1x1x16xf32>,
        %get3A_592 = vector.shape_cast %get3A_591 : vector<1x1x16xf32> to vector<16xf32>
        %swap3A_593 = arith.constant 0 : i32
        %swap3A_594 = arith.index_cast %swap3A_593 : i32 to index
        %swap3A_595 = arith.index_cast %scan3A_536 : i32 to index
        %swap3A_596 = arith.constant 64 : index
        %swap3A_597 = tpu.vector_load %arg7[%swap3A_594, %swap3A_595, %swap3A_596] {strides = array<i32>} : memref<4x80x128xf32, #tpu.memory_space<vmem>>, vector<1x1x16xf32>,
        %swap3A_598 = vector.shape_cast %swap3A_597 : vector<1x1x16xf32> to vector<16xf32>
        %swap3A_599 = vector.shape_cast %get3A_592 : vector<16xf32> to vector<1x1x16xf32>
        tpu.vector_store %arg7[%swap3A_594, %swap3A_595, %swap3A_596], %swap3A_599 {add = true, strides = array<i32>} : memref<4x80x128xf32, #tpu.memory_space<vmem>>, vector<1x1x16xf32>,
        %get3A_600 = arith.constant 0 : i32
        %get3A_601 = arith.index_cast %get3A_600 : i32 to index
        %get3A_602 = arith.index_cast %scan3A_536 : i32 to index
        %get3A_603 = arith.constant 80 : index
        %get3A_604 = tpu.vector_load %arg8[%get3A_601, %get3A_602, %get3A_603] {strides = array<i32>} : memref<4x80x128xf32, #tpu.memory_space<vmem>>, vector<1x1x16xf32>,
        %get3A_605 = vector.shape_cast %get3A_604 : vector<1x1x16xf32> to vector<16xf32>
        %swap3A_606 = arith.constant 0 : i32
        %swap3A_607 = arith.index_cast %swap3A_606 : i32 to index
        %swap3A_608 = arith.index_cast %scan3A_536 : i32 to index
        %swap3A_609 = arith.constant 80 : index
        %swap3A_610 = tpu.vector_load %arg7[%swap3A_607, %swap3A_608, %swap3A_609] {strides = array<i32>} : memref<4x80x128xf32, #tpu.memory_space<vmem>>, vector<1x1x16xf32>,
        %swap3A_611 = vector.shape_cast %swap3A_610 : vector<1x1x16xf32> to vector<16xf32>
        %swap3A_612 = vector.shape_cast %get3A_605 : vector<16xf32> to vector<1x1x16xf32>
        tpu.vector_store %arg7[%swap3A_607, %swap3A_608, %swap3A_609], %swap3A_612 {add = true, strides = array<i32>} : memref<4x80x128xf32, #tpu.memory_space<vmem>>, vector<1x1x16xf32>,
        %get3A_613 = arith.constant 0 : i32
        %get3A_614 = arith.index_cast %get3A_613 : i32 to index
        %get3A_615 = arith.index_cast %scan3A_536 : i32 to index
        %get3A_616 = arith.constant 96 : index
        %get3A_617 = tpu.vector_load %arg8[%get3A_614, %get3A_615, %get3A_616] {strides = array<i32>} : memref<4x80x128xf32, #tpu.memory_space<vmem>>, vector<1x1x16xf32>,
        %get3A_618 = vector.shape_cast %get3A_617 : vector<1x1x16xf32> to vector<16xf32>
        %swap3A_619 = arith.constant 0 : i32
        %swap3A_620 = arith.index_cast %swap3A_619 : i32 to index
        %swap3A_621 = arith.index_cast %scan3A_536 : i32 to index
        %swap3A_622 = arith.constant 96 : index
        %swap3A_623 = tpu.vector_load %arg7[%swap3A_620, %swap3A_621, %swap3A_622] {strides = array<i32>} : memref<4x80x128xf32, #tpu.memory_space<vmem>>, vector<1x1x16xf32>,
        %swap3A_624 = vector.shape_cast %swap3A_623 : vector<1x1x16xf32> to vector<16xf32>
        %swap3A_625 = vector.shape_cast %get3A_618 : vector<16xf32> to vector<1x1x16xf32>
        tpu.vector_store %arg7[%swap3A_620, %swap3A_621, %swap3A_622], %swap3A_625 {add = true, strides = array<i32>} : memref<4x80x128xf32, #tpu.memory_space<vmem>>, vector<1x1x16xf32>,
        %get3A_626 = arith.constant 0 : i32
        %get3A_627 = arith.index_cast %get3A_626 : i32 to index
        %get3A_628 = arith.index_cast %scan3A_536 : i32 to index
        %get3A_629 = arith.constant 112 : index
        %get3A_630 = tpu.vector_load %arg8[%get3A_627, %get3A_628, %get3A_629] {strides = array<i32>} : memref<4x80x128xf32, #tpu.memory_space<vmem>>, vector<1x1x16xf32>,
        %get3A_631 = vector.shape_cast %get3A_630 : vector<1x1x16xf32> to vector<16xf32>
        %swap3A_632 = arith.constant 0 : i32
        %swap3A_633 = arith.index_cast %swap3A_632 : i32 to index
        %swap3A_634 = arith.index_cast %scan3A_536 : i32 to index
        %swap3A_635 = arith.constant 112 : index
        %swap3A_636 = tpu.vector_load %arg7[%swap3A_633, %swap3A_634, %swap3A_635] {strides = array<i32>} : memref<4x80x128xf32, #tpu.memory_space<vmem>>, vector<1x1x16xf32>,
        %swap3A_637 = vector.shape_cast %swap3A_636 : vector<1x1x16xf32> to vector<16xf32>
        %swap3A_638 = vector.shape_cast %get3A_631 : vector<16xf32> to vector<1x1x16xf32>
        tpu.vector_store %arg7[%swap3A_633, %swap3A_634, %swap3A_635], %swap3A_638 {add = true, strides = array<i32>} : memref<4x80x128xf32, #tpu.memory_space<vmem>>, vector<1x1x16xf32>,
      }
      %scan3A_294 = arith.constant 80 : i32
      %mul3A_295 = arith.constant 80 : i32
      %mul3A_296 = arith.muli %add3A_244, %mul3A_295 : i32
      %add3A_297 = arith.addi %mul3A_2, %mul3A_296 : i32
      %dma_start3A_298 = arith.constant 0 : i32
      %dma_start3A_299 = arith.constant 0 : i32
      %dma_start3A_300 = arith.constant 0 : i32
      %dma_start3A_301 = arith.constant 0 : i32
      %dma_start3A_302 = tpu.memref_slice %arg7[%dma_start3A_298, %dma_start3A_300, %dma_start3A_301] : memref<4x80x128xf32, #tpu.memory_space<vmem>> -> memref<1x80x128xf32, #tpu.memory_space<vmem>>
      %dma_start3A_303 = tpu.memref_squeeze %dma_start3A_302 : memref<1x80x128xf32, #tpu.memory_space<vmem>> -> memref<80x128xf32, #tpu.memory_space<vmem>>
      %dma_start3A_304 = arith.constant 0 : i32
      %dma_start3A_305 = tpu.memref_slice %arg5[%add3A_297, %dma_start3A_304] : memref<819200x128xf32, #tpu.memory_space<hbm>> -> memref<80x128xf32, #tpu.memory_space<hbm>>
      %dma_start3A_306 = tpu.memref_slice %arg12[%dma_start3A_299] : memref<4x!tpu.dma_semaphore, #tpu.memory_space<semaphore_mem>> -> memref<1x!tpu.dma_semaphore, #tpu.memory_space<semaphore_mem>>
      %dma_start3A_307 = tpu.memref_squeeze %dma_start3A_306 : memref<1x!tpu.dma_semaphore, #tpu.memory_space<semaphore_mem>> -> memref<!tpu.dma_semaphore, #tpu.memory_space<semaphore_mem>>
      %dma_start3A_308 = arith.constant 0 : i32
      %dma_start3A_309 = tpu.memref_slice %arg5[%add3A_297, %dma_start3A_308] : memref<819200x128xf32, #tpu.memory_space<hbm>> -> memref<80x128xf32, #tpu.memory_space<hbm>>
      %dma_start3A_310 = arith.constant 0 : i32
      %dma_start3A_311 = arith.constant 0 : i32
      %dma_start3A_312 = tpu.memref_slice %arg7[%dma_start3A_298, %dma_start3A_310, %dma_start3A_311] : memref<4x80x128xf32, #tpu.memory_space<vmem>> -> memref<1x80x128xf32, #tpu.memory_space<vmem>>
      %dma_start3A_313 = tpu.memref_squeeze %dma_start3A_312 : memref<1x80x128xf32, #tpu.memory_space<vmem>> -> memref<80x128xf32, #tpu.memory_space<vmem>>
      tpu.enqueue_dma source(%dma_start3A_313 : memref<80x128xf32, #tpu.memory_space<vmem>>) target(%dma_start3A_309 : memref<80x128xf32, #tpu.memory_space<hbm>>) target_semaphore(%dma_start3A_307 : memref<!tpu.dma_semaphore, #tpu.memory_space<semaphore_mem>>)
      %add3A_314 = arith.constant 1 : i32
      %add3A_315 = arith.addi %mul3A_242, %add3A_314 : i32
      %add3A_316 = arith.constant 2 : i32
      %add3A_317 = arith.addi %add3A_315, %add3A_316 : i32
      %lt3A_318 = arith.constant 320 : i32
      %lt3A_319 = arith.cmpi slt, %add3A_317, %lt3A_318 : i32
      %convert_element_type3A_320 = arith.extui %lt3A_319 : i1 to i32
      %cond3A_321 = arith.constant 0 : i32
      %cond3A_322 = arith.cmpi ne, %convert_element_type3A_320, %cond3A_321 : i32
      scf.if %cond3A_322 {
        %ge3A = arith.constant 2 : i32
        %ge3A_536 = arith.cmpi sge, %add3A_315, %ge3A : i32
        %convert_element_type3A_537 = arith.extui %ge3A_536 : i1 to i32
        %cond3A_538 = arith.constant 0 : i32
        %cond3A_539 = arith.cmpi ne, %convert_element_type3A_537, %cond3A_538 : i32
        scf.if %cond3A_539 {
          %dma_wait3A_596 = arith.constant 3 : i32
          %dma_wait3A_597 = arith.constant 3 : i32
          %dma_wait3A_598 = arith.constant 0 : i32
          %dma_wait3A_599 = arith.constant 0 : i32
          %dma_wait3A_600 = tpu.memref_slice %arg7[%dma_wait3A_596, %dma_wait3A_598, %dma_wait3A_599] : memref<4x80x128xf32, #tpu.memory_space<vmem>> -> memref<1x80x128xf32, #tpu.memory_space<vmem>>
          %dma_wait3A_601 = tpu.memref_squeeze %dma_wait3A_600 : memref<1x80x128xf32, #tpu.memory_space<vmem>> -> memref<80x128xf32, #tpu.memory_space<vmem>>
          %dma_wait3A_602 = arith.constant 0 : i32
          %dma_wait3A_603 = arith.constant 0 : i32
          %dma_wait3A_604 = tpu.memref_slice %arg5[%dma_wait3A_602, %dma_wait3A_603] : memref<819200x128xf32, #tpu.memory_space<hbm>> -> memref<80x128xf32, #tpu.memory_space<hbm>>
          %dma_wait3A_605 = tpu.memref_slice %arg12[%dma_wait3A_597] : memref<4x!tpu.dma_semaphore, #tpu.memory_space<semaphore_mem>> -> memref<1x!tpu.dma_semaphore, #tpu.memory_space<semaphore_mem>>
          %dma_wait3A_606 = tpu.memref_squeeze %dma_wait3A_605 : memref<1x!tpu.dma_semaphore, #tpu.memory_space<semaphore_mem>> -> memref<!tpu.dma_semaphore, #tpu.memory_space<semaphore_mem>>
          %dma_wait3A_607 = arith.constant 0 : i32
          %dma_wait3A_608 = arith.constant 0 : i32
          %dma_wait3A_609 = tpu.memref_slice %arg5[%dma_wait3A_607, %dma_wait3A_608] : memref<819200x128xf32, #tpu.memory_space<hbm>> -> memref<80x128xf32, #tpu.memory_space<hbm>>
          %dma_wait3A_610 = arith.constant 0 : i32
          %dma_wait3A_611 = arith.constant 0 : i32
          %dma_wait3A_612 = tpu.memref_slice %arg7[%dma_wait3A_596, %dma_wait3A_610, %dma_wait3A_611] : memref<4x80x128xf32, #tpu.memory_space<vmem>> -> memref<1x80x128xf32, #tpu.memory_space<vmem>>
          %dma_wait3A_613 = tpu.memref_squeeze %dma_wait3A_612 : memref<1x80x128xf32, #tpu.memory_space<vmem>> -> memref<80x128xf32, #tpu.memory_space<vmem>>
          tpu.wait_dma2 semaphore(%dma_wait3A_606 : memref<!tpu.dma_semaphore, #tpu.memory_space<semaphore_mem>>) src(%dma_wait3A_613 : memref<80x128xf32, #tpu.memory_space<vmem>>) dst(%dma_wait3A_609 : memref<80x128xf32, #tpu.memory_space<hbm>>)
        } else {
        }
        %dma_wait3A_540 = arith.constant 3 : i32
        %dma_wait3A_541 = arith.constant 3 : i32
        %dma_wait3A_542 = arith.constant 0 : i32
        %dma_wait3A_543 = tpu.memref_slice %arg6[%dma_wait3A_540, %dma_wait3A_542] : memref<4x80xi32, #tpu.memory_space<vmem>> -> memref<1x80xi32, #tpu.memory_space<vmem>>
        %dma_wait3A_544 = tpu.memref_squeeze %dma_wait3A_543 : memref<1x80xi32, #tpu.memory_space<vmem>> -> memref<80xi32, #tpu.memory_space<vmem>>
        %dma_wait3A_545 = arith.constant 0 : i32
        %dma_wait3A_546 = tpu.memref_slice %arg3[%dma_wait3A_545] : memref<819200xi32, #tpu.memory_space<hbm>> -> memref<80xi32, #tpu.memory_space<hbm>>
        %dma_wait3A_547 = tpu.memref_slice %arg9[%dma_wait3A_541] : memref<4x!tpu.dma_semaphore, #tpu.memory_space<semaphore_mem>> -> memref<1x!tpu.dma_semaphore, #tpu.memory_space<semaphore_mem>>
        %dma_wait3A_548 = tpu.memref_squeeze %dma_wait3A_547 : memref<1x!tpu.dma_semaphore, #tpu.memory_space<semaphore_mem>> -> memref<!tpu.dma_semaphore, #tpu.memory_space<semaphore_mem>>
        %dma_wait3A_549 = arith.constant 0 : i32
        %dma_wait3A_550 = tpu.memref_slice %arg6[%dma_wait3A_540, %dma_wait3A_549] : memref<4x80xi32, #tpu.memory_space<vmem>> -> memref<1x80xi32, #tpu.memory_space<vmem>>
        %dma_wait3A_551 = tpu.memref_squeeze %dma_wait3A_550 : memref<1x80xi32, #tpu.memory_space<vmem>> -> memref<80xi32, #tpu.memory_space<vmem>>
        %dma_wait3A_552 = arith.constant 0 : i32
        %dma_wait3A_553 = tpu.memref_slice %arg3[%dma_wait3A_552] : memref<819200xi32, #tpu.memory_space<hbm>> -> memref<80xi32, #tpu.memory_space<hbm>>
        tpu.wait_dma2 semaphore(%dma_wait3A_548 : memref<!tpu.dma_semaphore, #tpu.memory_space<semaphore_mem>>) src(%dma_wait3A_553 : memref<80xi32, #tpu.memory_space<hbm>>) dst(%dma_wait3A_551 : memref<80xi32, #tpu.memory_space<vmem>>)
        %scan3A_554 = arith.constant 0 : i32
        %scan3A_555 = arith.constant 0 : i32
        %scan3A_556 = arith.constant 5 : i32
        %scan3A_557 = arith.addi %scan3A_555, %scan3A_556 : i32
        %scan3A_558 = arith.constant 1 : i32
        scf.for %scan3A_596 = %scan3A_555 to %scan3A_557 step %scan3A_558  : i32 {
          %mul3A_597 = arith.constant 16 : i32
          %mul3A_598 = arith.muli %scan3A_596, %mul3A_597 : i32
          %get3A = arith.constant 3 : i32
          %get3A_599 = arith.index_cast %get3A : i32 to index
          %get3A_600 = arith.index_cast %mul3A_598 : i32 to index
          %get3A_601 = tpu.vector_load %arg6[%get3A_599, %get3A_600] {strides = array<i32>} : memref<4x80xi32, #tpu.memory_space<vmem>>, vector<1x16xi32>,
          %get3A_602 = vector.shape_cast %get3A_601 : vector<1x16xi32> to vector<16xi32>
          %max3A = arith.constant 0 : i32
          %max3A_603 = vector.broadcast %max3A : i32 to vector<16xi32>
          %max3A_604 = arith.maxsi %get3A_602, %max3A_603 : vector<16xi32>
          %min3A = arith.constant 99999 : i32
          %min3A_605 = vector.broadcast %min3A : i32 to vector<16xi32>
          %min3A_606 = arith.minsi %max3A_604, %min3A_605 : vector<16xi32>
          %mul3A_607 = arith.constant 16 : i32
          %mul3A_608 = arith.muli %scan3A_596, %mul3A_607 : i32
          %swap3A = arith.constant 3 : i32
          %swap3A_609 = arith.index_cast %swap3A : i32 to index
          %swap3A_610 = arith.index_cast %mul3A_608 : i32 to index
          %swap3A_611 = tpu.vector_load %arg6[%swap3A_609, %swap3A_610] {strides = array<i32>} : memref<4x80xi32, #tpu.memory_space<vmem>>, vector<1x16xi32>,
          %swap3A_612 = vector.shape_cast %swap3A_611 : vector<1x16xi32> to vector<16xi32>
          %swap3A_613 = vector.shape_cast %min3A_606 : vector<16xi32> to vector<1x16xi32>
          tpu.vector_store %arg6[%swap3A_609, %swap3A_610], %swap3A_613 {strides = array<i32>} : memref<4x80xi32, #tpu.memory_space<vmem>>, vector<1x16xi32>,
        }
        %scan3A_559 = arith.constant 5 : i32
        %add3A_560 = arith.constant 2 : i32
        %add3A_561 = arith.addi %add3A_315, %add3A_560 : i32
        %dma_start3A_562 = arith.constant 3 : i32
        %dma_start3A_563 = arith.constant 3 : i32
        %dma_start3A_564 = arith.constant 3 : i32
        %dma_start3A_565 = arith.constant 0 : i32
        %dma_start3A_566 = arith.constant 0 : i32
        %dma_start3A_567 = tpu.memref_slice %arg7[%dma_start3A_563, %dma_start3A_565, %dma_start3A_566] : memref<4x80x128xf32, #tpu.memory_space<vmem>> -> memref<1x80x128xf32, #tpu.memory_space<vmem>>
        %dma_start3A_568 = tpu.memref_squeeze %dma_start3A_567 : memref<1x80x128xf32, #tpu.memory_space<vmem>> -> memref<80x128xf32, #tpu.memory_space<vmem>>
        %dma_start3A_569 = arith.constant 0 : i32
        %dma_start3A_570 = tpu.memref_slice %arg6[%dma_start3A_562, %dma_start3A_569] : memref<4x80xi32, #tpu.memory_space<vmem>> -> memref<1x80xi32, #tpu.memory_space<vmem>>
        %dma_start3A_571 = tpu.memref_squeeze %dma_start3A_570 : memref<1x80xi32, #tpu.memory_space<vmem>> -> memref<80xi32, #tpu.memory_space<vmem>>
        %dma_start3A_572 = arith.constant 0 : i32
        %dma_start3A_573 = arith.constant 0 : i32
        %dma_start3A_574 = tpu.memref_slice %arg4[%dma_start3A_572, %dma_start3A_573] : memref<100000x128xf32, #tpu.memory_space<hbm>> -> memref<100000x128xf32, #tpu.memory_space<hbm>>
        %dma_start3A_575 = tpu.memref_slice %arg10[%dma_start3A_564] : memref<4x!tpu.dma_semaphore, #tpu.memory_space<semaphore_mem>> -> memref<1x!tpu.dma_semaphore, #tpu.memory_space<semaphore_mem>>
        %dma_start3A_576 = tpu.memref_squeeze %dma_start3A_575 : memref<1x!tpu.dma_semaphore, #tpu.memory_space<semaphore_mem>> -> memref<!tpu.dma_semaphore, #tpu.memory_space<semaphore_mem>>
        tpu.enqueue_indirect_dma source(%dma_start3A_574 : memref<100000x128xf32, #tpu.memory_space<hbm>>) target(%dma_start3A_568 : memref<80x128xf32, #tpu.memory_space<vmem>>) offsets(%dma_start3A_571 : memref<80xi32, #tpu.memory_space<vmem>>) semaphore(%dma_start3A_576 : memref<!tpu.dma_semaphore, #tpu.memory_space<semaphore_mem>>)
        %mul3A_577 = arith.constant 80 : i32
        %mul3A_578 = arith.muli %add3A_561, %mul3A_577 : i32
        %add3A_579 = arith.addi %mul3A_2, %mul3A_578 : i32
        %dma_start3A_580 = arith.constant 3 : i32
        %dma_start3A_581 = arith.constant 3 : i32
        %dma_start3A_582 = arith.constant 0 : i32
        %dma_start3A_583 = arith.constant 0 : i32
        %dma_start3A_584 = tpu.memref_slice %arg8[%dma_start3A_580, %dma_start3A_582, %dma_start3A_583] : memref<4x80x128xf32, #tpu.memory_space<vmem>> -> memref<1x80x128xf32, #tpu.memory_space<vmem>>
        %dma_start3A_585 = tpu.memref_squeeze %dma_start3A_584 : memref<1x80x128xf32, #tpu.memory_space<vmem>> -> memref<80x128xf32, #tpu.memory_space<vmem>>
        %dma_start3A_586 = arith.constant 0 : i32
        %dma_start3A_587 = tpu.memref_slice %arg2[%add3A_579, %dma_start3A_586] : memref<819200x128xf32, #tpu.memory_space<hbm>> -> memref<80x128xf32, #tpu.memory_space<hbm>>
        %dma_start3A_588 = tpu.memref_slice %arg11[%dma_start3A_581] : memref<4x!tpu.dma_semaphore, #tpu.memory_space<semaphore_mem>> -> memref<1x!tpu.dma_semaphore, #tpu.memory_space<semaphore_mem>>
        %dma_start3A_589 = tpu.memref_squeeze %dma_start3A_588 : memref<1x!tpu.dma_semaphore, #tpu.memory_space<semaphore_mem>> -> memref<!tpu.dma_semaphore, #tpu.memory_space<semaphore_mem>>
        %dma_start3A_590 = arith.constant 0 : i32
        %dma_start3A_591 = arith.constant 0 : i32
        %dma_start3A_592 = tpu.memref_slice %arg8[%dma_start3A_580, %dma_start3A_590, %dma_start3A_591] : memref<4x80x128xf32, #tpu.memory_space<vmem>> -> memref<1x80x128xf32, #tpu.memory_space<vmem>>
        %dma_start3A_593 = tpu.memref_squeeze %dma_start3A_592 : memref<1x80x128xf32, #tpu.memory_space<vmem>> -> memref<80x128xf32, #tpu.memory_space<vmem>>
        %dma_start3A_594 = arith.constant 0 : i32
        %dma_start3A_595 = tpu.memref_slice %arg2[%add3A_579, %dma_start3A_594] : memref<819200x128xf32, #tpu.memory_space<hbm>> -> memref<80x128xf32, #tpu.memory_space<hbm>>
        tpu.enqueue_dma source(%dma_start3A_595 : memref<80x128xf32, #tpu.memory_space<hbm>>) target(%dma_start3A_593 : memref<80x128xf32, #tpu.memory_space<vmem>>) target_semaphore(%dma_start3A_589 : memref<!tpu.dma_semaphore, #tpu.memory_space<semaphore_mem>>)
      } else {
      }
      %dma_wait3A_323 = arith.constant 1 : i32
      %dma_wait3A_324 = arith.constant 1 : i32
      %dma_wait3A_325 = arith.constant 1 : i32
      %dma_wait3A_326 = arith.constant 0 : i32
      %dma_wait3A_327 = arith.constant 0 : i32
      %dma_wait3A_328 = tpu.memref_slice %arg7[%dma_wait3A_324, %dma_wait3A_326, %dma_wait3A_327] : memref<4x80x128xf32, #tpu.memory_space<vmem>> -> memref<1x80x128xf32, #tpu.memory_space<vmem>>
      %dma_wait3A_329 = tpu.memref_squeeze %dma_wait3A_328 : memref<1x80x128xf32, #tpu.memory_space<vmem>> -> memref<80x128xf32, #tpu.memory_space<vmem>>
      %dma_wait3A_330 = arith.constant 0 : i32
      %dma_wait3A_331 = tpu.memref_slice %arg6[%dma_wait3A_323, %dma_wait3A_330] : memref<4x80xi32, #tpu.memory_space<vmem>> -> memref<1x80xi32, #tpu.memory_space<vmem>>
      %dma_wait3A_332 = tpu.memref_squeeze %dma_wait3A_331 : memref<1x80xi32, #tpu.memory_space<vmem>> -> memref<80xi32, #tpu.memory_space<vmem>>
      %dma_wait3A_333 = arith.constant 0 : i32
      %dma_wait3A_334 = arith.constant 0 : i32
      %dma_wait3A_335 = tpu.memref_slice %arg4[%dma_wait3A_333, %dma_wait3A_334] : memref<100000x128xf32, #tpu.memory_space<hbm>> -> memref<100000x128xf32, #tpu.memory_space<hbm>>
      %dma_wait3A_336 = tpu.memref_slice %arg10[%dma_wait3A_325] : memref<4x!tpu.dma_semaphore, #tpu.memory_space<semaphore_mem>> -> memref<1x!tpu.dma_semaphore, #tpu.memory_space<semaphore_mem>>
      %dma_wait3A_337 = tpu.memref_squeeze %dma_wait3A_336 : memref<1x!tpu.dma_semaphore, #tpu.memory_space<semaphore_mem>> -> memref<!tpu.dma_semaphore, #tpu.memory_space<semaphore_mem>>
      tpu.wait_indirect_dma semaphore(%dma_wait3A_337 : memref<!tpu.dma_semaphore, #tpu.memory_space<semaphore_mem>>) src(%dma_wait3A_335 : memref<100000x128xf32, #tpu.memory_space<hbm>>) dst(%dma_wait3A_329 : memref<80x128xf32, #tpu.memory_space<vmem>>)
      %dma_wait3A_338 = arith.constant 1 : i32
      %dma_wait3A_339 = arith.constant 1 : i32
      %dma_wait3A_340 = arith.constant 0 : i32
      %dma_wait3A_341 = arith.constant 0 : i32
      %dma_wait3A_342 = tpu.memref_slice %arg8[%dma_wait3A_338, %dma_wait3A_340, %dma_wait3A_341] : memref<4x80x128xf32, #tpu.memory_space<vmem>> -> memref<1x80x128xf32, #tpu.memory_space<vmem>>
      %dma_wait3A_343 = tpu.memref_squeeze %dma_wait3A_342 : memref<1x80x128xf32, #tpu.memory_space<vmem>> -> memref<80x128xf32, #tpu.memory_space<vmem>>
      %dma_wait3A_344 = arith.constant 0 : i32
      %dma_wait3A_345 = arith.constant 0 : i32
      %dma_wait3A_346 = tpu.memref_slice %arg2[%dma_wait3A_344, %dma_wait3A_345] : memref<819200x128xf32, #tpu.memory_space<hbm>> -> memref<80x128xf32, #tpu.memory_space<hbm>>
      %dma_wait3A_347 = tpu.memref_slice %arg11[%dma_wait3A_339] : memref<4x!tpu.dma_semaphore, #tpu.memory_space<semaphore_mem>> -> memref<1x!tpu.dma_semaphore, #tpu.memory_space<semaphore_mem>>
      %dma_wait3A_348 = tpu.memref_squeeze %dma_wait3A_347 : memref<1x!tpu.dma_semaphore, #tpu.memory_space<semaphore_mem>> -> memref<!tpu.dma_semaphore, #tpu.memory_space<semaphore_mem>>
      %dma_wait3A_349 = arith.constant 0 : i32
      %dma_wait3A_350 = arith.constant 0 : i32
      %dma_wait3A_351 = tpu.memref_slice %arg8[%dma_wait3A_338, %dma_wait3A_349, %dma_wait3A_350] : memref<4x80x128xf32, #tpu.memory_space<vmem>> -> memref<1x80x128xf32, #tpu.memory_space<vmem>>
      %dma_wait3A_352 = tpu.memref_squeeze %dma_wait3A_351 : memref<1x80x128xf32, #tpu.memory_space<vmem>> -> memref<80x128xf32, #tpu.memory_space<vmem>>
      %dma_wait3A_353 = arith.constant 0 : i32
      %dma_wait3A_354 = arith.constant 0 : i32
      %dma_wait3A_355 = tpu.memref_slice %arg2[%dma_wait3A_353, %dma_wait3A_354] : memref<819200x128xf32, #tpu.memory_space<hbm>> -> memref<80x128xf32, #tpu.memory_space<hbm>>
      tpu.wait_dma2 semaphore(%dma_wait3A_348 : memref<!tpu.dma_semaphore, #tpu.memory_space<semaphore_mem>>) src(%dma_wait3A_355 : memref<80x128xf32, #tpu.memory_space<hbm>>) dst(%dma_wait3A_352 : memref<80x128xf32, #tpu.memory_space<vmem>>)
      %add3A_356 = arith.constant 4 : i32
      %add3A_357 = arith.addi %add3A_315, %add3A_356 : i32
      %lt3A_358 = arith.constant 320 : i32
      %lt3A_359 = arith.cmpi slt, %add3A_357, %lt3A_358 : i32
      %convert_element_type3A_360 = arith.extui %lt3A_359 : i1 to i32
      %cond3A_361 = arith.constant 0 : i32
      %cond3A_362 = arith.cmpi ne, %convert_element_type3A_360, %cond3A_361 : i32
      scf.if %cond3A_362 {
        %add3A_536 = arith.constant 4 : i32
        %add3A_537 = arith.addi %add3A_315, %add3A_536 : i32
        %mul3A_538 = arith.constant 80 : i32
        %mul3A_539 = arith.muli %add3A_537, %mul3A_538 : i32
        %add3A_540 = arith.addi %mul3A_2, %mul3A_539 : i32
        %dma_start3A_541 = arith.constant 1 : i32
        %dma_start3A_542 = arith.constant 1 : i32
        %dma_start3A_543 = arith.constant 0 : i32
        %dma_start3A_544 = tpu.memref_slice %arg6[%dma_start3A_541, %dma_start3A_543] : memref<4x80xi32, #tpu.memory_space<vmem>> -> memref<1x80xi32, #tpu.memory_space<vmem>>
        %dma_start3A_545 = tpu.memref_squeeze %dma_start3A_544 : memref<1x80xi32, #tpu.memory_space<vmem>> -> memref<80xi32, #tpu.memory_space<vmem>>
        %dma_start3A_546 = tpu.memref_slice %arg3[%add3A_540] : memref<819200xi32, #tpu.memory_space<hbm>> -> memref<80xi32, #tpu.memory_space<hbm>>
        %dma_start3A_547 = tpu.memref_slice %arg9[%dma_start3A_542] : memref<4x!tpu.dma_semaphore, #tpu.memory_space<semaphore_mem>> -> memref<1x!tpu.dma_semaphore, #tpu.memory_space<semaphore_mem>>
        %dma_start3A_548 = tpu.memref_squeeze %dma_start3A_547 : memref<1x!tpu.dma_semaphore, #tpu.memory_space<semaphore_mem>> -> memref<!tpu.dma_semaphore, #tpu.memory_space<semaphore_mem>>
        %dma_start3A_549 = arith.constant 0 : i32
        %dma_start3A_550 = tpu.memref_slice %arg6[%dma_start3A_541, %dma_start3A_549] : memref<4x80xi32, #tpu.memory_space<vmem>> -> memref<1x80xi32, #tpu.memory_space<vmem>>
        %dma_start3A_551 = tpu.memref_squeeze %dma_start3A_550 : memref<1x80xi32, #tpu.memory_space<vmem>> -> memref<80xi32, #tpu.memory_space<vmem>>
        %dma_start3A_552 = tpu.memref_slice %arg3[%add3A_540] : memref<819200xi32, #tpu.memory_space<hbm>> -> memref<80xi32, #tpu.memory_space<hbm>>
        tpu.enqueue_dma source(%dma_start3A_552 : memref<80xi32, #tpu.memory_space<hbm>>) target(%dma_start3A_551 : memref<80xi32, #tpu.memory_space<vmem>>) target_semaphore(%dma_start3A_548 : memref<!tpu.dma_semaphore, #tpu.memory_space<semaphore_mem>>)
      } else {
      }
      %scan3A_363 = arith.constant 0 : i32
      %scan3A_364 = arith.constant 0 : i32
      %scan3A_365 = arith.constant 80 : i32
      %scan3A_366 = arith.addi %scan3A_364, %scan3A_365 : i32
      %scan3A_367 = arith.constant 1 : i32
      scf.for %scan3A_536 = %scan3A_364 to %scan3A_366 step %scan3A_367  : i32 {
        %get3A = arith.constant 1 : i32
        %get3A_537 = arith.index_cast %get3A : i32 to index
        %get3A_538 = arith.index_cast %scan3A_536 : i32 to index
        %get3A_539 = arith.constant 0 : index
        %get3A_540 = tpu.vector_load %arg8[%get3A_537, %get3A_538, %get3A_539] {strides = array<i32>} : memref<4x80x128xf32, #tpu.memory_space<vmem>>, vector<1x1x16xf32>,
        %get3A_541 = vector.shape_cast %get3A_540 : vector<1x1x16xf32> to vector<16xf32>
        %swap3A = arith.constant 1 : i32
        %swap3A_542 = arith.index_cast %swap3A : i32 to index
        %swap3A_543 = arith.index_cast %scan3A_536 : i32 to index
        %swap3A_544 = arith.constant 0 : index
        %swap3A_545 = tpu.vector_load %arg7[%swap3A_542, %swap3A_543, %swap3A_544] {strides = array<i32>} : memref<4x80x128xf32, #tpu.memory_space<vmem>>, vector<1x1x16xf32>,
        %swap3A_546 = vector.shape_cast %swap3A_545 : vector<1x1x16xf32> to vector<16xf32>
        %swap3A_547 = vector.shape_cast %get3A_541 : vector<16xf32> to vector<1x1x16xf32>
        tpu.vector_store %arg7[%swap3A_542, %swap3A_543, %swap3A_544], %swap3A_547 {add = true, strides = array<i32>} : memref<4x80x128xf32, #tpu.memory_space<vmem>>, vector<1x1x16xf32>,
        %get3A_548 = arith.constant 1 : i32
        %get3A_549 = arith.index_cast %get3A_548 : i32 to index
        %get3A_550 = arith.index_cast %scan3A_536 : i32 to index
        %get3A_551 = arith.constant 16 : index
        %get3A_552 = tpu.vector_load %arg8[%get3A_549, %get3A_550, %get3A_551] {strides = array<i32>} : memref<4x80x128xf32, #tpu.memory_space<vmem>>, vector<1x1x16xf32>,
        %get3A_553 = vector.shape_cast %get3A_552 : vector<1x1x16xf32> to vector<16xf32>
        %swap3A_554 = arith.constant 1 : i32
        %swap3A_555 = arith.index_cast %swap3A_554 : i32 to index
        %swap3A_556 = arith.index_cast %scan3A_536 : i32 to index
        %swap3A_557 = arith.constant 16 : index
        %swap3A_558 = tpu.vector_load %arg7[%swap3A_555, %swap3A_556, %swap3A_557] {strides = array<i32>} : memref<4x80x128xf32, #tpu.memory_space<vmem>>, vector<1x1x16xf32>,
        %swap3A_559 = vector.shape_cast %swap3A_558 : vector<1x1x16xf32> to vector<16xf32>
        %swap3A_560 = vector.shape_cast %get3A_553 : vector<16xf32> to vector<1x1x16xf32>
        tpu.vector_store %arg7[%swap3A_555, %swap3A_556, %swap3A_557], %swap3A_560 {add = true, strides = array<i32>} : memref<4x80x128xf32, #tpu.memory_space<vmem>>, vector<1x1x16xf32>,
        %get3A_561 = arith.constant 1 : i32
        %get3A_562 = arith.index_cast %get3A_561 : i32 to index
        %get3A_563 = arith.index_cast %scan3A_536 : i32 to index
        %get3A_564 = arith.constant 32 : index
        %get3A_565 = tpu.vector_load %arg8[%get3A_562, %get3A_563, %get3A_564] {strides = array<i32>} : memref<4x80x128xf32, #tpu.memory_space<vmem>>, vector<1x1x16xf32>,
        %get3A_566 = vector.shape_cast %get3A_565 : vector<1x1x16xf32> to vector<16xf32>
        %swap3A_567 = arith.constant 1 : i32
        %swap3A_568 = arith.index_cast %swap3A_567 : i32 to index
        %swap3A_569 = arith.index_cast %scan3A_536 : i32 to index
        %swap3A_570 = arith.constant 32 : index
        %swap3A_571 = tpu.vector_load %arg7[%swap3A_568, %swap3A_569, %swap3A_570] {strides = array<i32>} : memref<4x80x128xf32, #tpu.memory_space<vmem>>, vector<1x1x16xf32>,
        %swap3A_572 = vector.shape_cast %swap3A_571 : vector<1x1x16xf32> to vector<16xf32>
        %swap3A_573 = vector.shape_cast %get3A_566 : vector<16xf32> to vector<1x1x16xf32>
        tpu.vector_store %arg7[%swap3A_568, %swap3A_569, %swap3A_570], %swap3A_573 {add = true, strides = array<i32>} : memref<4x80x128xf32, #tpu.memory_space<vmem>>, vector<1x1x16xf32>,
        %get3A_574 = arith.constant 1 : i32
        %get3A_575 = arith.index_cast %get3A_574 : i32 to index
        %get3A_576 = arith.index_cast %scan3A_536 : i32 to index
        %get3A_577 = arith.constant 48 : index
        %get3A_578 = tpu.vector_load %arg8[%get3A_575, %get3A_576, %get3A_577] {strides = array<i32>} : memref<4x80x128xf32, #tpu.memory_space<vmem>>, vector<1x1x16xf32>,
        %get3A_579 = vector.shape_cast %get3A_578 : vector<1x1x16xf32> to vector<16xf32>
        %swap3A_580 = arith.constant 1 : i32
        %swap3A_581 = arith.index_cast %swap3A_580 : i32 to index
        %swap3A_582 = arith.index_cast %scan3A_536 : i32 to index
        %swap3A_583 = arith.constant 48 : index
        %swap3A_584 = tpu.vector_load %arg7[%swap3A_581, %swap3A_582, %swap3A_583] {strides = array<i32>} : memref<4x80x128xf32, #tpu.memory_space<vmem>>, vector<1x1x16xf32>,
        %swap3A_585 = vector.shape_cast %swap3A_584 : vector<1x1x16xf32> to vector<16xf32>
        %swap3A_586 = vector.shape_cast %get3A_579 : vector<16xf32> to vector<1x1x16xf32>
        tpu.vector_store %arg7[%swap3A_581, %swap3A_582, %swap3A_583], %swap3A_586 {add = true, strides = array<i32>} : memref<4x80x128xf32, #tpu.memory_space<vmem>>, vector<1x1x16xf32>,
        %get3A_587 = arith.constant 1 : i32
        %get3A_588 = arith.index_cast %get3A_587 : i32 to index
        %get3A_589 = arith.index_cast %scan3A_536 : i32 to index
        %get3A_590 = arith.constant 64 : index
        %get3A_591 = tpu.vector_load %arg8[%get3A_588, %get3A_589, %get3A_590] {strides = array<i32>} : memref<4x80x128xf32, #tpu.memory_space<vmem>>, vector<1x1x16xf32>,
        %get3A_592 = vector.shape_cast %get3A_591 : vector<1x1x16xf32> to vector<16xf32>
        %swap3A_593 = arith.constant 1 : i32
        %swap3A_594 = arith.index_cast %swap3A_593 : i32 to index
        %swap3A_595 = arith.index_cast %scan3A_536 : i32 to index
        %swap3A_596 = arith.constant 64 : index
        %swap3A_597 = tpu.vector_load %arg7[%swap3A_594, %swap3A_595, %swap3A_596] {strides = array<i32>} : memref<4x80x128xf32, #tpu.memory_space<vmem>>, vector<1x1x16xf32>,
        %swap3A_598 = vector.shape_cast %swap3A_597 : vector<1x1x16xf32> to vector<16xf32>
        %swap3A_599 = vector.shape_cast %get3A_592 : vector<16xf32> to vector<1x1x16xf32>
        tpu.vector_store %arg7[%swap3A_594, %swap3A_595, %swap3A_596], %swap3A_599 {add = true, strides = array<i32>} : memref<4x80x128xf32, #tpu.memory_space<vmem>>, vector<1x1x16xf32>,
        %get3A_600 = arith.constant 1 : i32
        %get3A_601 = arith.index_cast %get3A_600 : i32 to index
        %get3A_602 = arith.index_cast %scan3A_536 : i32 to index
        %get3A_603 = arith.constant 80 : index
        %get3A_604 = tpu.vector_load %arg8[%get3A_601, %get3A_602, %get3A_603] {strides = array<i32>} : memref<4x80x128xf32, #tpu.memory_space<vmem>>, vector<1x1x16xf32>,
        %get3A_605 = vector.shape_cast %get3A_604 : vector<1x1x16xf32> to vector<16xf32>
        %swap3A_606 = arith.constant 1 : i32
        %swap3A_607 = arith.index_cast %swap3A_606 : i32 to index
        %swap3A_608 = arith.index_cast %scan3A_536 : i32 to index
        %swap3A_609 = arith.constant 80 : index
        %swap3A_610 = tpu.vector_load %arg7[%swap3A_607, %swap3A_608, %swap3A_609] {strides = array<i32>} : memref<4x80x128xf32, #tpu.memory_space<vmem>>, vector<1x1x16xf32>,
        %swap3A_611 = vector.shape_cast %swap3A_610 : vector<1x1x16xf32> to vector<16xf32>
        %swap3A_612 = vector.shape_cast %get3A_605 : vector<16xf32> to vector<1x1x16xf32>
        tpu.vector_store %arg7[%swap3A_607, %swap3A_608, %swap3A_609], %swap3A_612 {add = true, strides = array<i32>} : memref<4x80x128xf32, #tpu.memory_space<vmem>>, vector<1x1x16xf32>,
        %get3A_613 = arith.constant 1 : i32
        %get3A_614 = arith.index_cast %get3A_613 : i32 to index
        %get3A_615 = arith.index_cast %scan3A_536 : i32 to index
        %get3A_616 = arith.constant 96 : index
        %get3A_617 = tpu.vector_load %arg8[%get3A_614, %get3A_615, %get3A_616] {strides = array<i32>} : memref<4x80x128xf32, #tpu.memory_space<vmem>>, vector<1x1x16xf32>,
        %get3A_618 = vector.shape_cast %get3A_617 : vector<1x1x16xf32> to vector<16xf32>
        %swap3A_619 = arith.constant 1 : i32
        %swap3A_620 = arith.index_cast %swap3A_619 : i32 to index
        %swap3A_621 = arith.index_cast %scan3A_536 : i32 to index
        %swap3A_622 = arith.constant 96 : index
        %swap3A_623 = tpu.vector_load %arg7[%swap3A_620, %swap3A_621, %swap3A_622] {strides = array<i32>} : memref<4x80x128xf32, #tpu.memory_space<vmem>>, vector<1x1x16xf32>,
        %swap3A_624 = vector.shape_cast %swap3A_623 : vector<1x1x16xf32> to vector<16xf32>
        %swap3A_625 = vector.shape_cast %get3A_618 : vector<16xf32> to vector<1x1x16xf32>
        tpu.vector_store %arg7[%swap3A_620, %swap3A_621, %swap3A_622], %swap3A_625 {add = true, strides = array<i32>} : memref<4x80x128xf32, #tpu.memory_space<vmem>>, vector<1x1x16xf32>,
        %get3A_626 = arith.constant 1 : i32
        %get3A_627 = arith.index_cast %get3A_626 : i32 to index
        %get3A_628 = arith.index_cast %scan3A_536 : i32 to index
        %get3A_629 = arith.constant 112 : index
        %get3A_630 = tpu.vector_load %arg8[%get3A_627, %get3A_628, %get3A_629] {strides = array<i32>} : memref<4x80x128xf32, #tpu.memory_space<vmem>>, vector<1x1x16xf32>,
        %get3A_631 = vector.shape_cast %get3A_630 : vector<1x1x16xf32> to vector<16xf32>
        %swap3A_632 = arith.constant 1 : i32
        %swap3A_633 = arith.index_cast %swap3A_632 : i32 to index
        %swap3A_634 = arith.index_cast %scan3A_536 : i32 to index
        %swap3A_635 = arith.constant 112 : index
        %swap3A_636 = tpu.vector_load %arg7[%swap3A_633, %swap3A_634, %swap3A_635] {strides = array<i32>} : memref<4x80x128xf32, #tpu.memory_space<vmem>>, vector<1x1x16xf32>,
        %swap3A_637 = vector.shape_cast %swap3A_636 : vector<1x1x16xf32> to vector<16xf32>
        %swap3A_638 = vector.shape_cast %get3A_631 : vector<16xf32> to vector<1x1x16xf32>
        tpu.vector_store %arg7[%swap3A_633, %swap3A_634, %swap3A_635], %swap3A_638 {add = true, strides = array<i32>} : memref<4x80x128xf32, #tpu.memory_space<vmem>>, vector<1x1x16xf32>,
      }
      %scan3A_368 = arith.constant 80 : i32
      %mul3A_369 = arith.constant 80 : i32
      %mul3A_370 = arith.muli %add3A_315, %mul3A_369 : i32
      %add3A_371 = arith.addi %mul3A_2, %mul3A_370 : i32
      %dma_start3A_372 = arith.constant 1 : i32
      %dma_start3A_373 = arith.constant 1 : i32
      %dma_start3A_374 = arith.constant 0 : i32
      %dma_start3A_375 = arith.constant 0 : i32
      %dma_start3A_376 = tpu.memref_slice %arg7[%dma_start3A_372, %dma_start3A_374, %dma_start3A_375] : memref<4x80x128xf32, #tpu.memory_space<vmem>> -> memref<1x80x128xf32, #tpu.memory_space<vmem>>
      %dma_start3A_377 = tpu.memref_squeeze %dma_start3A_376 : memref<1x80x128xf32, #tpu.memory_space<vmem>> -> memref<80x128xf32, #tpu.memory_space<vmem>>
      %dma_start3A_378 = arith.constant 0 : i32
      %dma_start3A_379 = tpu.memref_slice %arg5[%add3A_371, %dma_start3A_378] : memref<819200x128xf32, #tpu.memory_space<hbm>> -> memref<80x128xf32, #tpu.memory_space<hbm>>
      %dma_start3A_380 = tpu.memref_slice %arg12[%dma_start3A_373] : memref<4x!tpu.dma_semaphore, #tpu.memory_space<semaphore_mem>> -> memref<1x!tpu.dma_semaphore, #tpu.memory_space<semaphore_mem>>
      %dma_start3A_381 = tpu.memref_squeeze %dma_start3A_380 : memref<1x!tpu.dma_semaphore, #tpu.memory_space<semaphore_mem>> -> memref<!tpu.dma_semaphore, #tpu.memory_space<semaphore_mem>>
      %dma_start3A_382 = arith.constant 0 : i32
      %dma_start3A_383 = tpu.memref_slice %arg5[%add3A_371, %dma_start3A_382] : memref<819200x128xf32, #tpu.memory_space<hbm>> -> memref<80x128xf32, #tpu.memory_space<hbm>>
      %dma_start3A_384 = arith.constant 0 : i32
      %dma_start3A_385 = arith.constant 0 : i32
      %dma_start3A_386 = tpu.memref_slice %arg7[%dma_start3A_372, %dma_start3A_384, %dma_start3A_385] : memref<4x80x128xf32, #tpu.memory_space<vmem>> -> memref<1x80x128xf32, #tpu.memory_space<vmem>>
      %dma_start3A_387 = tpu.memref_squeeze %dma_start3A_386 : memref<1x80x128xf32, #tpu.memory_space<vmem>> -> memref<80x128xf32, #tpu.memory_space<vmem>>
      tpu.enqueue_dma source(%dma_start3A_387 : memref<80x128xf32, #tpu.memory_space<vmem>>) target(%dma_start3A_383 : memref<80x128xf32, #tpu.memory_space<hbm>>) target_semaphore(%dma_start3A_381 : memref<!tpu.dma_semaphore, #tpu.memory_space<semaphore_mem>>)
      %add3A_388 = arith.constant 2 : i32
      %add3A_389 = arith.addi %mul3A_242, %add3A_388 : i32
      %add3A_390 = arith.constant 2 : i32
      %add3A_391 = arith.addi %add3A_389, %add3A_390 : i32
      %lt3A_392 = arith.constant 320 : i32
      %lt3A_393 = arith.cmpi slt, %add3A_391, %lt3A_392 : i32
      %convert_element_type3A_394 = arith.extui %lt3A_393 : i1 to i32
      %cond3A_395 = arith.constant 0 : i32
      %cond3A_396 = arith.cmpi ne, %convert_element_type3A_394, %cond3A_395 : i32
      scf.if %cond3A_396 {
        %ge3A = arith.constant 2 : i32
        %ge3A_536 = arith.cmpi sge, %add3A_389, %ge3A : i32
        %convert_element_type3A_537 = arith.extui %ge3A_536 : i1 to i32
        %cond3A_538 = arith.constant 0 : i32
        %cond3A_539 = arith.cmpi ne, %convert_element_type3A_537, %cond3A_538 : i32
        scf.if %cond3A_539 {
          %dma_wait3A_596 = arith.constant 0 : i32
          %dma_wait3A_597 = arith.constant 0 : i32
          %dma_wait3A_598 = arith.constant 0 : i32
          %dma_wait3A_599 = arith.constant 0 : i32
          %dma_wait3A_600 = tpu.memref_slice %arg7[%dma_wait3A_596, %dma_wait3A_598, %dma_wait3A_599] : memref<4x80x128xf32, #tpu.memory_space<vmem>> -> memref<1x80x128xf32, #tpu.memory_space<vmem>>
          %dma_wait3A_601 = tpu.memref_squeeze %dma_wait3A_600 : memref<1x80x128xf32, #tpu.memory_space<vmem>> -> memref<80x128xf32, #tpu.memory_space<vmem>>
          %dma_wait3A_602 = arith.constant 0 : i32
          %dma_wait3A_603 = arith.constant 0 : i32
          %dma_wait3A_604 = tpu.memref_slice %arg5[%dma_wait3A_602, %dma_wait3A_603] : memref<819200x128xf32, #tpu.memory_space<hbm>> -> memref<80x128xf32, #tpu.memory_space<hbm>>
          %dma_wait3A_605 = tpu.memref_slice %arg12[%dma_wait3A_597] : memref<4x!tpu.dma_semaphore, #tpu.memory_space<semaphore_mem>> -> memref<1x!tpu.dma_semaphore, #tpu.memory_space<semaphore_mem>>
          %dma_wait3A_606 = tpu.memref_squeeze %dma_wait3A_605 : memref<1x!tpu.dma_semaphore, #tpu.memory_space<semaphore_mem>> -> memref<!tpu.dma_semaphore, #tpu.memory_space<semaphore_mem>>
          %dma_wait3A_607 = arith.constant 0 : i32
          %dma_wait3A_608 = arith.constant 0 : i32
          %dma_wait3A_609 = tpu.memref_slice %arg5[%dma_wait3A_607, %dma_wait3A_608] : memref<819200x128xf32, #tpu.memory_space<hbm>> -> memref<80x128xf32, #tpu.memory_space<hbm>>
          %dma_wait3A_610 = arith.constant 0 : i32
          %dma_wait3A_611 = arith.constant 0 : i32
          %dma_wait3A_612 = tpu.memref_slice %arg7[%dma_wait3A_596, %dma_wait3A_610, %dma_wait3A_611] : memref<4x80x128xf32, #tpu.memory_space<vmem>> -> memref<1x80x128xf32, #tpu.memory_space<vmem>>
          %dma_wait3A_613 = tpu.memref_squeeze %dma_wait3A_612 : memref<1x80x128xf32, #tpu.memory_space<vmem>> -> memref<80x128xf32, #tpu.memory_space<vmem>>
          tpu.wait_dma2 semaphore(%dma_wait3A_606 : memref<!tpu.dma_semaphore, #tpu.memory_space<semaphore_mem>>) src(%dma_wait3A_613 : memref<80x128xf32, #tpu.memory_space<vmem>>) dst(%dma_wait3A_609 : memref<80x128xf32, #tpu.memory_space<hbm>>)
        } else {
        }
        %dma_wait3A_540 = arith.constant 0 : i32
        %dma_wait3A_541 = arith.constant 0 : i32
        %dma_wait3A_542 = arith.constant 0 : i32
        %dma_wait3A_543 = tpu.memref_slice %arg6[%dma_wait3A_540, %dma_wait3A_542] : memref<4x80xi32, #tpu.memory_space<vmem>> -> memref<1x80xi32, #tpu.memory_space<vmem>>
        %dma_wait3A_544 = tpu.memref_squeeze %dma_wait3A_543 : memref<1x80xi32, #tpu.memory_space<vmem>> -> memref<80xi32, #tpu.memory_space<vmem>>
        %dma_wait3A_545 = arith.constant 0 : i32
        %dma_wait3A_546 = tpu.memref_slice %arg3[%dma_wait3A_545] : memref<819200xi32, #tpu.memory_space<hbm>> -> memref<80xi32, #tpu.memory_space<hbm>>
        %dma_wait3A_547 = tpu.memref_slice %arg9[%dma_wait3A_541] : memref<4x!tpu.dma_semaphore, #tpu.memory_space<semaphore_mem>> -> memref<1x!tpu.dma_semaphore, #tpu.memory_space<semaphore_mem>>
        %dma_wait3A_548 = tpu.memref_squeeze %dma_wait3A_547 : memref<1x!tpu.dma_semaphore, #tpu.memory_space<semaphore_mem>> -> memref<!tpu.dma_semaphore, #tpu.memory_space<semaphore_mem>>
        %dma_wait3A_549 = arith.constant 0 : i32
        %dma_wait3A_550 = tpu.memref_slice %arg6[%dma_wait3A_540, %dma_wait3A_549] : memref<4x80xi32, #tpu.memory_space<vmem>> -> memref<1x80xi32, #tpu.memory_space<vmem>>
        %dma_wait3A_551 = tpu.memref_squeeze %dma_wait3A_550 : memref<1x80xi32, #tpu.memory_space<vmem>> -> memref<80xi32, #tpu.memory_space<vmem>>
        %dma_wait3A_552 = arith.constant 0 : i32
        %dma_wait3A_553 = tpu.memref_slice %arg3[%dma_wait3A_552] : memref<819200xi32, #tpu.memory_space<hbm>> -> memref<80xi32, #tpu.memory_space<hbm>>
        tpu.wait_dma2 semaphore(%dma_wait3A_548 : memref<!tpu.dma_semaphore, #tpu.memory_space<semaphore_mem>>) src(%dma_wait3A_553 : memref<80xi32, #tpu.memory_space<hbm>>) dst(%dma_wait3A_551 : memref<80xi32, #tpu.memory_space<vmem>>)
        %scan3A_554 = arith.constant 0 : i32
        %scan3A_555 = arith.constant 0 : i32
        %scan3A_556 = arith.constant 5 : i32
        %scan3A_557 = arith.addi %scan3A_555, %scan3A_556 : i32
        %scan3A_558 = arith.constant 1 : i32
        scf.for %scan3A_596 = %scan3A_555 to %scan3A_557 step %scan3A_558  : i32 {
          %mul3A_597 = arith.constant 16 : i32
          %mul3A_598 = arith.muli %scan3A_596, %mul3A_597 : i32
          %get3A = arith.constant 0 : i32
          %get3A_599 = arith.index_cast %get3A : i32 to index
          %get3A_600 = arith.index_cast %mul3A_598 : i32 to index
          %get3A_601 = tpu.vector_load %arg6[%get3A_599, %get3A_600] {strides = array<i32>} : memref<4x80xi32, #tpu.memory_space<vmem>>, vector<1x16xi32>,
          %get3A_602 = vector.shape_cast %get3A_601 : vector<1x16xi32> to vector<16xi32>
          %max3A = arith.constant 0 : i32
          %max3A_603 = vector.broadcast %max3A : i32 to vector<16xi32>
          %max3A_604 = arith.maxsi %get3A_602, %max3A_603 : vector<16xi32>
          %min3A = arith.constant 99999 : i32
          %min3A_605 = vector.broadcast %min3A : i32 to vector<16xi32>
          %min3A_606 = arith.minsi %max3A_604, %min3A_605 : vector<16xi32>
          %mul3A_607 = arith.constant 16 : i32
          %mul3A_608 = arith.muli %scan3A_596, %mul3A_607 : i32
          %swap3A = arith.constant 0 : i32
          %swap3A_609 = arith.index_cast %swap3A : i32 to index
          %swap3A_610 = arith.index_cast %mul3A_608 : i32 to index
          %swap3A_611 = tpu.vector_load %arg6[%swap3A_609, %swap3A_610] {strides = array<i32>} : memref<4x80xi32, #tpu.memory_space<vmem>>, vector<1x16xi32>,
          %swap3A_612 = vector.shape_cast %swap3A_611 : vector<1x16xi32> to vector<16xi32>
          %swap3A_613 = vector.shape_cast %min3A_606 : vector<16xi32> to vector<1x16xi32>
          tpu.vector_store %arg6[%swap3A_609, %swap3A_610], %swap3A_613 {strides = array<i32>} : memref<4x80xi32, #tpu.memory_space<vmem>>, vector<1x16xi32>,
        }
        %scan3A_559 = arith.constant 5 : i32
        %add3A_560 = arith.constant 2 : i32
        %add3A_561 = arith.addi %add3A_389, %add3A_560 : i32
        %dma_start3A_562 = arith.constant 0 : i32
        %dma_start3A_563 = arith.constant 0 : i32
        %dma_start3A_564 = arith.constant 0 : i32
        %dma_start3A_565 = arith.constant 0 : i32
        %dma_start3A_566 = arith.constant 0 : i32
        %dma_start3A_567 = tpu.memref_slice %arg7[%dma_start3A_563, %dma_start3A_565, %dma_start3A_566] : memref<4x80x128xf32, #tpu.memory_space<vmem>> -> memref<1x80x128xf32, #tpu.memory_space<vmem>>
        %dma_start3A_568 = tpu.memref_squeeze %dma_start3A_567 : memref<1x80x128xf32, #tpu.memory_space<vmem>> -> memref<80x128xf32, #tpu.memory_space<vmem>>
        %dma_start3A_569 = arith.constant 0 : i32
        %dma_start3A_570 = tpu.memref_slice %arg6[%dma_start3A_562, %dma_start3A_569] : memref<4x80xi32, #tpu.memory_space<vmem>> -> memref<1x80xi32, #tpu.memory_space<vmem>>
        %dma_start3A_571 = tpu.memref_squeeze %dma_start3A_570 : memref<1x80xi32, #tpu.memory_space<vmem>> -> memref<80xi32, #tpu.memory_space<vmem>>
        %dma_start3A_572 = arith.constant 0 : i32
        %dma_start3A_573 = arith.constant 0 : i32
        %dma_start3A_574 = tpu.memref_slice %arg4[%dma_start3A_572, %dma_start3A_573] : memref<100000x128xf32, #tpu.memory_space<hbm>> -> memref<100000x128xf32, #tpu.memory_space<hbm>>
        %dma_start3A_575 = tpu.memref_slice %arg10[%dma_start3A_564] : memref<4x!tpu.dma_semaphore, #tpu.memory_space<semaphore_mem>> -> memref<1x!tpu.dma_semaphore, #tpu.memory_space<semaphore_mem>>
        %dma_start3A_576 = tpu.memref_squeeze %dma_start3A_575 : memref<1x!tpu.dma_semaphore, #tpu.memory_space<semaphore_mem>> -> memref<!tpu.dma_semaphore, #tpu.memory_space<semaphore_mem>>
        tpu.enqueue_indirect_dma source(%dma_start3A_574 : memref<100000x128xf32, #tpu.memory_space<hbm>>) target(%dma_start3A_568 : memref<80x128xf32, #tpu.memory_space<vmem>>) offsets(%dma_start3A_571 : memref<80xi32, #tpu.memory_space<vmem>>) semaphore(%dma_start3A_576 : memref<!tpu.dma_semaphore, #tpu.memory_space<semaphore_mem>>)
        %mul3A_577 = arith.constant 80 : i32
        %mul3A_578 = arith.muli %add3A_561, %mul3A_577 : i32
        %add3A_579 = arith.addi %mul3A_2, %mul3A_578 : i32
        %dma_start3A_580 = arith.constant 0 : i32
        %dma_start3A_581 = arith.constant 0 : i32
        %dma_start3A_582 = arith.constant 0 : i32
        %dma_start3A_583 = arith.constant 0 : i32
        %dma_start3A_584 = tpu.memref_slice %arg8[%dma_start3A_580, %dma_start3A_582, %dma_start3A_583] : memref<4x80x128xf32, #tpu.memory_space<vmem>> -> memref<1x80x128xf32, #tpu.memory_space<vmem>>
        %dma_start3A_585 = tpu.memref_squeeze %dma_start3A_584 : memref<1x80x128xf32, #tpu.memory_space<vmem>> -> memref<80x128xf32, #tpu.memory_space<vmem>>
        %dma_start3A_586 = arith.constant 0 : i32
        %dma_start3A_587 = tpu.memref_slice %arg2[%add3A_579, %dma_start3A_586] : memref<819200x128xf32, #tpu.memory_space<hbm>> -> memref<80x128xf32, #tpu.memory_space<hbm>>
        %dma_start3A_588 = tpu.memref_slice %arg11[%dma_start3A_581] : memref<4x!tpu.dma_semaphore, #tpu.memory_space<semaphore_mem>> -> memref<1x!tpu.dma_semaphore, #tpu.memory_space<semaphore_mem>>
        %dma_start3A_589 = tpu.memref_squeeze %dma_start3A_588 : memref<1x!tpu.dma_semaphore, #tpu.memory_space<semaphore_mem>> -> memref<!tpu.dma_semaphore, #tpu.memory_space<semaphore_mem>>
        %dma_start3A_590 = arith.constant 0 : i32
        %dma_start3A_591 = arith.constant 0 : i32
        %dma_start3A_592 = tpu.memref_slice %arg8[%dma_start3A_580, %dma_start3A_590, %dma_start3A_591] : memref<4x80x128xf32, #tpu.memory_space<vmem>> -> memref<1x80x128xf32, #tpu.memory_space<vmem>>
        %dma_start3A_593 = tpu.memref_squeeze %dma_start3A_592 : memref<1x80x128xf32, #tpu.memory_space<vmem>> -> memref<80x128xf32, #tpu.memory_space<vmem>>
        %dma_start3A_594 = arith.constant 0 : i32
        %dma_start3A_595 = tpu.memref_slice %arg2[%add3A_579, %dma_start3A_594] : memref<819200x128xf32, #tpu.memory_space<hbm>> -> memref<80x128xf32, #tpu.memory_space<hbm>>
        tpu.enqueue_dma source(%dma_start3A_595 : memref<80x128xf32, #tpu.memory_space<hbm>>) target(%dma_start3A_593 : memref<80x128xf32, #tpu.memory_space<vmem>>) target_semaphore(%dma_start3A_589 : memref<!tpu.dma_semaphore, #tpu.memory_space<semaphore_mem>>)
      } else {
      }
      %dma_wait3A_397 = arith.constant 2 : i32
      %dma_wait3A_398 = arith.constant 2 : i32
      %dma_wait3A_399 = arith.constant 2 : i32
      %dma_wait3A_400 = arith.constant 0 : i32
      %dma_wait3A_401 = arith.constant 0 : i32
      %dma_wait3A_402 = tpu.memref_slice %arg7[%dma_wait3A_398, %dma_wait3A_400, %dma_wait3A_401] : memref<4x80x128xf32, #tpu.memory_space<vmem>> -> memref<1x80x128xf32, #tpu.memory_space<vmem>>
      %dma_wait3A_403 = tpu.memref_squeeze %dma_wait3A_402 : memref<1x80x128xf32, #tpu.memory_space<vmem>> -> memref<80x128xf32, #tpu.memory_space<vmem>>
      %dma_wait3A_404 = arith.constant 0 : i32
      %dma_wait3A_405 = tpu.memref_slice %arg6[%dma_wait3A_397, %dma_wait3A_404] : memref<4x80xi32, #tpu.memory_space<vmem>> -> memref<1x80xi32, #tpu.memory_space<vmem>>
      %dma_wait3A_406 = tpu.memref_squeeze %dma_wait3A_405 : memref<1x80xi32, #tpu.memory_space<vmem>> -> memref<80xi32, #tpu.memory_space<vmem>>
      %dma_wait3A_407 = arith.constant 0 : i32
      %dma_wait3A_408 = arith.constant 0 : i32
      %dma_wait3A_409 = tpu.memref_slice %arg4[%dma_wait3A_407, %dma_wait3A_408] : memref<100000x128xf32, #tpu.memory_space<hbm>> -> memref<100000x128xf32, #tpu.memory_space<hbm>>
      %dma_wait3A_410 = tpu.memref_slice %arg10[%dma_wait3A_399] : memref<4x!tpu.dma_semaphore, #tpu.memory_space<semaphore_mem>> -> memref<1x!tpu.dma_semaphore, #tpu.memory_space<semaphore_mem>>
      %dma_wait3A_411 = tpu.memref_squeeze %dma_wait3A_410 : memref<1x!tpu.dma_semaphore, #tpu.memory_space<semaphore_mem>> -> memref<!tpu.dma_semaphore, #tpu.memory_space<semaphore_mem>>
      tpu.wait_indirect_dma semaphore(%dma_wait3A_411 : memref<!tpu.dma_semaphore, #tpu.memory_space<semaphore_mem>>) src(%dma_wait3A_409 : memref<100000x128xf32, #tpu.memory_space<hbm>>) dst(%dma_wait3A_403 : memref<80x128xf32, #tpu.memory_space<vmem>>)
      %dma_wait3A_412 = arith.constant 2 : i32
      %dma_wait3A_413 = arith.constant 2 : i32
      %dma_wait3A_414 = arith.constant 0 : i32
      %dma_wait3A_415 = arith.constant 0 : i32
      %dma_wait3A_416 = tpu.memref_slice %arg8[%dma_wait3A_412, %dma_wait3A_414, %dma_wait3A_415] : memref<4x80x128xf32, #tpu.memory_space<vmem>> -> memref<1x80x128xf32, #tpu.memory_space<vmem>>
      %dma_wait3A_417 = tpu.memref_squeeze %dma_wait3A_416 : memref<1x80x128xf32, #tpu.memory_space<vmem>> -> memref<80x128xf32, #tpu.memory_space<vmem>>
      %dma_wait3A_418 = arith.constant 0 : i32
      %dma_wait3A_419 = arith.constant 0 : i32
      %dma_wait3A_420 = tpu.memref_slice %arg2[%dma_wait3A_418, %dma_wait3A_419] : memref<819200x128xf32, #tpu.memory_space<hbm>> -> memref<80x128xf32, #tpu.memory_space<hbm>>
      %dma_wait3A_421 = tpu.memref_slice %arg11[%dma_wait3A_413] : memref<4x!tpu.dma_semaphore, #tpu.memory_space<semaphore_mem>> -> memref<1x!tpu.dma_semaphore, #tpu.memory_space<semaphore_mem>>
      %dma_wait3A_422 = tpu.memref_squeeze %dma_wait3A_421 : memref<1x!tpu.dma_semaphore, #tpu.memory_space<semaphore_mem>> -> memref<!tpu.dma_semaphore, #tpu.memory_space<semaphore_mem>>
      %dma_wait3A_423 = arith.constant 0 : i32
      %dma_wait3A_424 = arith.constant 0 : i32
      %dma_wait3A_425 = tpu.memref_slice %arg8[%dma_wait3A_412, %dma_wait3A_423, %dma_wait3A_424] : memref<4x80x128xf32, #tpu.memory_space<vmem>> -> memref<1x80x128xf32, #tpu.memory_space<vmem>>
      %dma_wait3A_426 = tpu.memref_squeeze %dma_wait3A_425 : memref<1x80x128xf32, #tpu.memory_space<vmem>> -> memref<80x128xf32, #tpu.memory_space<vmem>>
      %dma_wait3A_427 = arith.constant 0 : i32
      %dma_wait3A_428 = arith.constant 0 : i32
      %dma_wait3A_429 = tpu.memref_slice %arg2[%dma_wait3A_427, %dma_wait3A_428] : memref<819200x128xf32, #tpu.memory_space<hbm>> -> memref<80x128xf32, #tpu.memory_space<hbm>>
      tpu.wait_dma2 semaphore(%dma_wait3A_422 : memref<!tpu.dma_semaphore, #tpu.memory_space<semaphore_mem>>) src(%dma_wait3A_429 : memref<80x128xf32, #tpu.memory_space<hbm>>) dst(%dma_wait3A_426 : memref<80x128xf32, #tpu.memory_space<vmem>>)
      %add3A_430 = arith.constant 4 : i32
      %add3A_431 = arith.addi %add3A_389, %add3A_430 : i32
      %lt3A_432 = arith.constant 320 : i32
      %lt3A_433 = arith.cmpi slt, %add3A_431, %lt3A_432 : i32
      %convert_element_type3A_434 = arith.extui %lt3A_433 : i1 to i32
      %cond3A_435 = arith.constant 0 : i32
      %cond3A_436 = arith.cmpi ne, %convert_element_type3A_434, %cond3A_435 : i32
      scf.if %cond3A_436 {
        %add3A_536 = arith.constant 4 : i32
        %add3A_537 = arith.addi %add3A_389, %add3A_536 : i32
        %mul3A_538 = arith.constant 80 : i32
        %mul3A_539 = arith.muli %add3A_537, %mul3A_538 : i32
        %add3A_540 = arith.addi %mul3A_2, %mul3A_539 : i32
        %dma_start3A_541 = arith.constant 2 : i32
        %dma_start3A_542 = arith.constant 2 : i32
        %dma_start3A_543 = arith.constant 0 : i32
        %dma_start3A_544 = tpu.memref_slice %arg6[%dma_start3A_541, %dma_start3A_543] : memref<4x80xi32, #tpu.memory_space<vmem>> -> memref<1x80xi32, #tpu.memory_space<vmem>>
        %dma_start3A_545 = tpu.memref_squeeze %dma_start3A_544 : memref<1x80xi32, #tpu.memory_space<vmem>> -> memref<80xi32, #tpu.memory_space<vmem>>
        %dma_start3A_546 = tpu.memref_slice %arg3[%add3A_540] : memref<819200xi32, #tpu.memory_space<hbm>> -> memref<80xi32, #tpu.memory_space<hbm>>
        %dma_start3A_547 = tpu.memref_slice %arg9[%dma_start3A_542] : memref<4x!tpu.dma_semaphore, #tpu.memory_space<semaphore_mem>> -> memref<1x!tpu.dma_semaphore, #tpu.memory_space<semaphore_mem>>
        %dma_start3A_548 = tpu.memref_squeeze %dma_start3A_547 : memref<1x!tpu.dma_semaphore, #tpu.memory_space<semaphore_mem>> -> memref<!tpu.dma_semaphore, #tpu.memory_space<semaphore_mem>>
        %dma_start3A_549 = arith.constant 0 : i32
        %dma_start3A_550 = tpu.memref_slice %arg6[%dma_start3A_541, %dma_start3A_549] : memref<4x80xi32, #tpu.memory_space<vmem>> -> memref<1x80xi32, #tpu.memory_space<vmem>>
        %dma_start3A_551 = tpu.memref_squeeze %dma_start3A_550 : memref<1x80xi32, #tpu.memory_space<vmem>> -> memref<80xi32, #tpu.memory_space<vmem>>
        %dma_start3A_552 = tpu.memref_slice %arg3[%add3A_540] : memref<819200xi32, #tpu.memory_space<hbm>> -> memref<80xi32, #tpu.memory_space<hbm>>
        tpu.enqueue_dma source(%dma_start3A_552 : memref<80xi32, #tpu.memory_space<hbm>>) target(%dma_start3A_551 : memref<80xi32, #tpu.memory_space<vmem>>) target_semaphore(%dma_start3A_548 : memref<!tpu.dma_semaphore, #tpu.memory_space<semaphore_mem>>)
      } else {
      }
      %scan3A_437 = arith.constant 0 : i32
      %scan3A_438 = arith.constant 0 : i32
      %scan3A_439 = arith.constant 80 : i32
      %scan3A_440 = arith.addi %scan3A_438, %scan3A_439 : i32
      %scan3A_441 = arith.constant 1 : i32
      scf.for %scan3A_536 = %scan3A_438 to %scan3A_440 step %scan3A_441  : i32 {
        %get3A = arith.constant 2 : i32
        %get3A_537 = arith.index_cast %get3A : i32 to index
        %get3A_538 = arith.index_cast %scan3A_536 : i32 to index
        %get3A_539 = arith.constant 0 : index
        %get3A_540 = tpu.vector_load %arg8[%get3A_537, %get3A_538, %get3A_539] {strides = array<i32>} : memref<4x80x128xf32, #tpu.memory_space<vmem>>, vector<1x1x16xf32>,
        %get3A_541 = vector.shape_cast %get3A_540 : vector<1x1x16xf32> to vector<16xf32>
        %swap3A = arith.constant 2 : i32
        %swap3A_542 = arith.index_cast %swap3A : i32 to index
        %swap3A_543 = arith.index_cast %scan3A_536 : i32 to index
        %swap3A_544 = arith.constant 0 : index
        %swap3A_545 = tpu.vector_load %arg7[%swap3A_542, %swap3A_543, %swap3A_544] {strides = array<i32>} : memref<4x80x128xf32, #tpu.memory_space<vmem>>, vector<1x1x16xf32>,
        %swap3A_546 = vector.shape_cast %swap3A_545 : vector<1x1x16xf32> to vector<16xf32>
        %swap3A_547 = vector.shape_cast %get3A_541 : vector<16xf32> to vector<1x1x16xf32>
        tpu.vector_store %arg7[%swap3A_542, %swap3A_543, %swap3A_544], %swap3A_547 {add = true, strides = array<i32>} : memref<4x80x128xf32, #tpu.memory_space<vmem>>, vector<1x1x16xf32>,
        %get3A_548 = arith.constant 2 : i32
        %get3A_549 = arith.index_cast %get3A_548 : i32 to index
        %get3A_550 = arith.index_cast %scan3A_536 : i32 to index
        %get3A_551 = arith.constant 16 : index
        %get3A_552 = tpu.vector_load %arg8[%get3A_549, %get3A_550, %get3A_551] {strides = array<i32>} : memref<4x80x128xf32, #tpu.memory_space<vmem>>, vector<1x1x16xf32>,
        %get3A_553 = vector.shape_cast %get3A_552 : vector<1x1x16xf32> to vector<16xf32>
        %swap3A_554 = arith.constant 2 : i32
        %swap3A_555 = arith.index_cast %swap3A_554 : i32 to index
        %swap3A_556 = arith.index_cast %scan3A_536 : i32 to index
        %swap3A_557 = arith.constant 16 : index
        %swap3A_558 = tpu.vector_load %arg7[%swap3A_555, %swap3A_556, %swap3A_557] {strides = array<i32>} : memref<4x80x128xf32, #tpu.memory_space<vmem>>, vector<1x1x16xf32>,
        %swap3A_559 = vector.shape_cast %swap3A_558 : vector<1x1x16xf32> to vector<16xf32>
        %swap3A_560 = vector.shape_cast %get3A_553 : vector<16xf32> to vector<1x1x16xf32>
        tpu.vector_store %arg7[%swap3A_555, %swap3A_556, %swap3A_557], %swap3A_560 {add = true, strides = array<i32>} : memref<4x80x128xf32, #tpu.memory_space<vmem>>, vector<1x1x16xf32>,
        %get3A_561 = arith.constant 2 : i32
        %get3A_562 = arith.index_cast %get3A_561 : i32 to index
        %get3A_563 = arith.index_cast %scan3A_536 : i32 to index
        %get3A_564 = arith.constant 32 : index
        %get3A_565 = tpu.vector_load %arg8[%get3A_562, %get3A_563, %get3A_564] {strides = array<i32>} : memref<4x80x128xf32, #tpu.memory_space<vmem>>, vector<1x1x16xf32>,
        %get3A_566 = vector.shape_cast %get3A_565 : vector<1x1x16xf32> to vector<16xf32>
        %swap3A_567 = arith.constant 2 : i32
        %swap3A_568 = arith.index_cast %swap3A_567 : i32 to index
        %swap3A_569 = arith.index_cast %scan3A_536 : i32 to index
        %swap3A_570 = arith.constant 32 : index
        %swap3A_571 = tpu.vector_load %arg7[%swap3A_568, %swap3A_569, %swap3A_570] {strides = array<i32>} : memref<4x80x128xf32, #tpu.memory_space<vmem>>, vector<1x1x16xf32>,
        %swap3A_572 = vector.shape_cast %swap3A_571 : vector<1x1x16xf32> to vector<16xf32>
        %swap3A_573 = vector.shape_cast %get3A_566 : vector<16xf32> to vector<1x1x16xf32>
        tpu.vector_store %arg7[%swap3A_568, %swap3A_569, %swap3A_570], %swap3A_573 {add = true, strides = array<i32>} : memref<4x80x128xf32, #tpu.memory_space<vmem>>, vector<1x1x16xf32>,
        %get3A_574 = arith.constant 2 : i32
        %get3A_575 = arith.index_cast %get3A_574 : i32 to index
        %get3A_576 = arith.index_cast %scan3A_536 : i32 to index
        %get3A_577 = arith.constant 48 : index
        %get3A_578 = tpu.vector_load %arg8[%get3A_575, %get3A_576, %get3A_577] {strides = array<i32>} : memref<4x80x128xf32, #tpu.memory_space<vmem>>, vector<1x1x16xf32>,
        %get3A_579 = vector.shape_cast %get3A_578 : vector<1x1x16xf32> to vector<16xf32>
        %swap3A_580 = arith.constant 2 : i32
        %swap3A_581 = arith.index_cast %swap3A_580 : i32 to index
        %swap3A_582 = arith.index_cast %scan3A_536 : i32 to index
        %swap3A_583 = arith.constant 48 : index
        %swap3A_584 = tpu.vector_load %arg7[%swap3A_581, %swap3A_582, %swap3A_583] {strides = array<i32>} : memref<4x80x128xf32, #tpu.memory_space<vmem>>, vector<1x1x16xf32>,
        %swap3A_585 = vector.shape_cast %swap3A_584 : vector<1x1x16xf32> to vector<16xf32>
        %swap3A_586 = vector.shape_cast %get3A_579 : vector<16xf32> to vector<1x1x16xf32>
        tpu.vector_store %arg7[%swap3A_581, %swap3A_582, %swap3A_583], %swap3A_586 {add = true, strides = array<i32>} : memref<4x80x128xf32, #tpu.memory_space<vmem>>, vector<1x1x16xf32>,
        %get3A_587 = arith.constant 2 : i32
        %get3A_588 = arith.index_cast %get3A_587 : i32 to index
        %get3A_589 = arith.index_cast %scan3A_536 : i32 to index
        %get3A_590 = arith.constant 64 : index
        %get3A_591 = tpu.vector_load %arg8[%get3A_588, %get3A_589, %get3A_590] {strides = array<i32>} : memref<4x80x128xf32, #tpu.memory_space<vmem>>, vector<1x1x16xf32>,
        %get3A_592 = vector.shape_cast %get3A_591 : vector<1x1x16xf32> to vector<16xf32>
        %swap3A_593 = arith.constant 2 : i32
        %swap3A_594 = arith.index_cast %swap3A_593 : i32 to index
        %swap3A_595 = arith.index_cast %scan3A_536 : i32 to index
        %swap3A_596 = arith.constant 64 : index
        %swap3A_597 = tpu.vector_load %arg7[%swap3A_594, %swap3A_595, %swap3A_596] {strides = array<i32>} : memref<4x80x128xf32, #tpu.memory_space<vmem>>, vector<1x1x16xf32>,
        %swap3A_598 = vector.shape_cast %swap3A_597 : vector<1x1x16xf32> to vector<16xf32>
        %swap3A_599 = vector.shape_cast %get3A_592 : vector<16xf32> to vector<1x1x16xf32>
        tpu.vector_store %arg7[%swap3A_594, %swap3A_595, %swap3A_596], %swap3A_599 {add = true, strides = array<i32>} : memref<4x80x128xf32, #tpu.memory_space<vmem>>, vector<1x1x16xf32>,
        %get3A_600 = arith.constant 2 : i32
        %get3A_601 = arith.index_cast %get3A_600 : i32 to index
        %get3A_602 = arith.index_cast %scan3A_536 : i32 to index
        %get3A_603 = arith.constant 80 : index
        %get3A_604 = tpu.vector_load %arg8[%get3A_601, %get3A_602, %get3A_603] {strides = array<i32>} : memref<4x80x128xf32, #tpu.memory_space<vmem>>, vector<1x1x16xf32>,
        %get3A_605 = vector.shape_cast %get3A_604 : vector<1x1x16xf32> to vector<16xf32>
        %swap3A_606 = arith.constant 2 : i32
        %swap3A_607 = arith.index_cast %swap3A_606 : i32 to index
        %swap3A_608 = arith.index_cast %scan3A_536 : i32 to index
        %swap3A_609 = arith.constant 80 : index
        %swap3A_610 = tpu.vector_load %arg7[%swap3A_607, %swap3A_608, %swap3A_609] {strides = array<i32>} : memref<4x80x128xf32, #tpu.memory_space<vmem>>, vector<1x1x16xf32>,
        %swap3A_611 = vector.shape_cast %swap3A_610 : vector<1x1x16xf32> to vector<16xf32>
        %swap3A_612 = vector.shape_cast %get3A_605 : vector<16xf32> to vector<1x1x16xf32>
        tpu.vector_store %arg7[%swap3A_607, %swap3A_608, %swap3A_609], %swap3A_612 {add = true, strides = array<i32>} : memref<4x80x128xf32, #tpu.memory_space<vmem>>, vector<1x1x16xf32>,
        %get3A_613 = arith.constant 2 : i32
        %get3A_614 = arith.index_cast %get3A_613 : i32 to index
        %get3A_615 = arith.index_cast %scan3A_536 : i32 to index
        %get3A_616 = arith.constant 96 : index
        %get3A_617 = tpu.vector_load %arg8[%get3A_614, %get3A_615, %get3A_616] {strides = array<i32>} : memref<4x80x128xf32, #tpu.memory_space<vmem>>, vector<1x1x16xf32>,
        %get3A_618 = vector.shape_cast %get3A_617 : vector<1x1x16xf32> to vector<16xf32>
        %swap3A_619 = arith.constant 2 : i32
        %swap3A_620 = arith.index_cast %swap3A_619 : i32 to index
        %swap3A_621 = arith.index_cast %scan3A_536 : i32 to index
        %swap3A_622 = arith.constant 96 : index
        %swap3A_623 = tpu.vector_load %arg7[%swap3A_620, %swap3A_621, %swap3A_622] {strides = array<i32>} : memref<4x80x128xf32, #tpu.memory_space<vmem>>, vector<1x1x16xf32>,
        %swap3A_624 = vector.shape_cast %swap3A_623 : vector<1x1x16xf32> to vector<16xf32>
        %swap3A_625 = vector.shape_cast %get3A_618 : vector<16xf32> to vector<1x1x16xf32>
        tpu.vector_store %arg7[%swap3A_620, %swap3A_621, %swap3A_622], %swap3A_625 {add = true, strides = array<i32>} : memref<4x80x128xf32, #tpu.memory_space<vmem>>, vector<1x1x16xf32>,
        %get3A_626 = arith.constant 2 : i32
        %get3A_627 = arith.index_cast %get3A_626 : i32 to index
        %get3A_628 = arith.index_cast %scan3A_536 : i32 to index
        %get3A_629 = arith.constant 112 : index
        %get3A_630 = tpu.vector_load %arg8[%get3A_627, %get3A_628, %get3A_629] {strides = array<i32>} : memref<4x80x128xf32, #tpu.memory_space<vmem>>, vector<1x1x16xf32>,
        %get3A_631 = vector.shape_cast %get3A_630 : vector<1x1x16xf32> to vector<16xf32>
        %swap3A_632 = arith.constant 2 : i32
        %swap3A_633 = arith.index_cast %swap3A_632 : i32 to index
        %swap3A_634 = arith.index_cast %scan3A_536 : i32 to index
        %swap3A_635 = arith.constant 112 : index
        %swap3A_636 = tpu.vector_load %arg7[%swap3A_633, %swap3A_634, %swap3A_635] {strides = array<i32>} : memref<4x80x128xf32, #tpu.memory_space<vmem>>, vector<1x1x16xf32>,
        %swap3A_637 = vector.shape_cast %swap3A_636 : vector<1x1x16xf32> to vector<16xf32>
        %swap3A_638 = vector.shape_cast %get3A_631 : vector<16xf32> to vector<1x1x16xf32>
        tpu.vector_store %arg7[%swap3A_633, %swap3A_634, %swap3A_635], %swap3A_638 {add = true, strides = array<i32>} : memref<4x80x128xf32, #tpu.memory_space<vmem>>, vector<1x1x16xf32>,
      }
      %scan3A_442 = arith.constant 80 : i32
      %mul3A_443 = arith.constant 80 : i32
      %mul3A_444 = arith.muli %add3A_389, %mul3A_443 : i32
      %add3A_445 = arith.addi %mul3A_2, %mul3A_444 : i32
      %dma_start3A_446 = arith.constant 2 : i32
      %dma_start3A_447 = arith.constant 2 : i32
      %dma_start3A_448 = arith.constant 0 : i32
      %dma_start3A_449 = arith.constant 0 : i32
      %dma_start3A_450 = tpu.memref_slice %arg7[%dma_start3A_446, %dma_start3A_448, %dma_start3A_449] : memref<4x80x128xf32, #tpu.memory_space<vmem>> -> memref<1x80x128xf32, #tpu.memory_space<vmem>>
      %dma_start3A_451 = tpu.memref_squeeze %dma_start3A_450 : memref<1x80x128xf32, #tpu.memory_space<vmem>> -> memref<80x128xf32, #tpu.memory_space<vmem>>
      %dma_start3A_452 = arith.constant 0 : i32
      %dma_start3A_453 = tpu.memref_slice %arg5[%add3A_445, %dma_start3A_452] : memref<819200x128xf32, #tpu.memory_space<hbm>> -> memref<80x128xf32, #tpu.memory_space<hbm>>
      %dma_start3A_454 = tpu.memref_slice %arg12[%dma_start3A_447] : memref<4x!tpu.dma_semaphore, #tpu.memory_space<semaphore_mem>> -> memref<1x!tpu.dma_semaphore, #tpu.memory_space<semaphore_mem>>
      %dma_start3A_455 = tpu.memref_squeeze %dma_start3A_454 : memref<1x!tpu.dma_semaphore, #tpu.memory_space<semaphore_mem>> -> memref<!tpu.dma_semaphore, #tpu.memory_space<semaphore_mem>>
      %dma_start3A_456 = arith.constant 0 : i32
      %dma_start3A_457 = tpu.memref_slice %arg5[%add3A_445, %dma_start3A_456] : memref<819200x128xf32, #tpu.memory_space<hbm>> -> memref<80x128xf32, #tpu.memory_space<hbm>>
      %dma_start3A_458 = arith.constant 0 : i32
      %dma_start3A_459 = arith.constant 0 : i32
      %dma_start3A_460 = tpu.memref_slice %arg7[%dma_start3A_446, %dma_start3A_458, %dma_start3A_459] : memref<4x80x128xf32, #tpu.memory_space<vmem>> -> memref<1x80x128xf32, #tpu.memory_space<vmem>>
      %dma_start3A_461 = tpu.memref_squeeze %dma_start3A_460 : memref<1x80x128xf32, #tpu.memory_space<vmem>> -> memref<80x128xf32, #tpu.memory_space<vmem>>
      tpu.enqueue_dma source(%dma_start3A_461 : memref<80x128xf32, #tpu.memory_space<vmem>>) target(%dma_start3A_457 : memref<80x128xf32, #tpu.memory_space<hbm>>) target_semaphore(%dma_start3A_455 : memref<!tpu.dma_semaphore, #tpu.memory_space<semaphore_mem>>)
      %add3A_462 = arith.constant 3 : i32
      %add3A_463 = arith.addi %mul3A_242, %add3A_462 : i32
      %add3A_464 = arith.constant 2 : i32
      %add3A_465 = arith.addi %add3A_463, %add3A_464 : i32
      %lt3A_466 = arith.constant 320 : i32
      %lt3A_467 = arith.cmpi slt, %add3A_465, %lt3A_466 : i32
      %convert_element_type3A_468 = arith.extui %lt3A_467 : i1 to i32
      %cond3A_469 = arith.constant 0 : i32
      %cond3A_470 = arith.cmpi ne, %convert_element_type3A_468, %cond3A_469 : i32
      scf.if %cond3A_470 {
        %ge3A = arith.constant 2 : i32
        %ge3A_536 = arith.cmpi sge, %add3A_463, %ge3A : i32
        %convert_element_type3A_537 = arith.extui %ge3A_536 : i1 to i32
        %cond3A_538 = arith.constant 0 : i32
        %cond3A_539 = arith.cmpi ne, %convert_element_type3A_537, %cond3A_538 : i32
        scf.if %cond3A_539 {
          %dma_wait3A_596 = arith.constant 1 : i32
          %dma_wait3A_597 = arith.constant 1 : i32
          %dma_wait3A_598 = arith.constant 0 : i32
          %dma_wait3A_599 = arith.constant 0 : i32
          %dma_wait3A_600 = tpu.memref_slice %arg7[%dma_wait3A_596, %dma_wait3A_598, %dma_wait3A_599] : memref<4x80x128xf32, #tpu.memory_space<vmem>> -> memref<1x80x128xf32, #tpu.memory_space<vmem>>
          %dma_wait3A_601 = tpu.memref_squeeze %dma_wait3A_600 : memref<1x80x128xf32, #tpu.memory_space<vmem>> -> memref<80x128xf32, #tpu.memory_space<vmem>>
          %dma_wait3A_602 = arith.constant 0 : i32
          %dma_wait3A_603 = arith.constant 0 : i32
          %dma_wait3A_604 = tpu.memref_slice %arg5[%dma_wait3A_602, %dma_wait3A_603] : memref<819200x128xf32, #tpu.memory_space<hbm>> -> memref<80x128xf32, #tpu.memory_space<hbm>>
          %dma_wait3A_605 = tpu.memref_slice %arg12[%dma_wait3A_597] : memref<4x!tpu.dma_semaphore, #tpu.memory_space<semaphore_mem>> -> memref<1x!tpu.dma_semaphore, #tpu.memory_space<semaphore_mem>>
          %dma_wait3A_606 = tpu.memref_squeeze %dma_wait3A_605 : memref<1x!tpu.dma_semaphore, #tpu.memory_space<semaphore_mem>> -> memref<!tpu.dma_semaphore, #tpu.memory_space<semaphore_mem>>
          %dma_wait3A_607 = arith.constant 0 : i32
          %dma_wait3A_608 = arith.constant 0 : i32
          %dma_wait3A_609 = tpu.memref_slice %arg5[%dma_wait3A_607, %dma_wait3A_608] : memref<819200x128xf32, #tpu.memory_space<hbm>> -> memref<80x128xf32, #tpu.memory_space<hbm>>
          %dma_wait3A_610 = arith.constant 0 : i32
          %dma_wait3A_611 = arith.constant 0 : i32
          %dma_wait3A_612 = tpu.memref_slice %arg7[%dma_wait3A_596, %dma_wait3A_610, %dma_wait3A_611] : memref<4x80x128xf32, #tpu.memory_space<vmem>> -> memref<1x80x128xf32, #tpu.memory_space<vmem>>
          %dma_wait3A_613 = tpu.memref_squeeze %dma_wait3A_612 : memref<1x80x128xf32, #tpu.memory_space<vmem>> -> memref<80x128xf32, #tpu.memory_space<vmem>>
          tpu.wait_dma2 semaphore(%dma_wait3A_606 : memref<!tpu.dma_semaphore, #tpu.memory_space<semaphore_mem>>) src(%dma_wait3A_613 : memref<80x128xf32, #tpu.memory_space<vmem>>) dst(%dma_wait3A_609 : memref<80x128xf32, #tpu.memory_space<hbm>>)
        } else {
        }
        %dma_wait3A_540 = arith.constant 1 : i32
        %dma_wait3A_541 = arith.constant 1 : i32
        %dma_wait3A_542 = arith.constant 0 : i32
        %dma_wait3A_543 = tpu.memref_slice %arg6[%dma_wait3A_540, %dma_wait3A_542] : memref<4x80xi32, #tpu.memory_space<vmem>> -> memref<1x80xi32, #tpu.memory_space<vmem>>
        %dma_wait3A_544 = tpu.memref_squeeze %dma_wait3A_543 : memref<1x80xi32, #tpu.memory_space<vmem>> -> memref<80xi32, #tpu.memory_space<vmem>>
        %dma_wait3A_545 = arith.constant 0 : i32
        %dma_wait3A_546 = tpu.memref_slice %arg3[%dma_wait3A_545] : memref<819200xi32, #tpu.memory_space<hbm>> -> memref<80xi32, #tpu.memory_space<hbm>>
        %dma_wait3A_547 = tpu.memref_slice %arg9[%dma_wait3A_541] : memref<4x!tpu.dma_semaphore, #tpu.memory_space<semaphore_mem>> -> memref<1x!tpu.dma_semaphore, #tpu.memory_space<semaphore_mem>>
        %dma_wait3A_548 = tpu.memref_squeeze %dma_wait3A_547 : memref<1x!tpu.dma_semaphore, #tpu.memory_space<semaphore_mem>> -> memref<!tpu.dma_semaphore, #tpu.memory_space<semaphore_mem>>
        %dma_wait3A_549 = arith.constant 0 : i32
        %dma_wait3A_550 = tpu.memref_slice %arg6[%dma_wait3A_540, %dma_wait3A_549] : memref<4x80xi32, #tpu.memory_space<vmem>> -> memref<1x80xi32, #tpu.memory_space<vmem>>
        %dma_wait3A_551 = tpu.memref_squeeze %dma_wait3A_550 : memref<1x80xi32, #tpu.memory_space<vmem>> -> memref<80xi32, #tpu.memory_space<vmem>>
        %dma_wait3A_552 = arith.constant 0 : i32
        %dma_wait3A_553 = tpu.memref_slice %arg3[%dma_wait3A_552] : memref<819200xi32, #tpu.memory_space<hbm>> -> memref<80xi32, #tpu.memory_space<hbm>>
        tpu.wait_dma2 semaphore(%dma_wait3A_548 : memref<!tpu.dma_semaphore, #tpu.memory_space<semaphore_mem>>) src(%dma_wait3A_553 : memref<80xi32, #tpu.memory_space<hbm>>) dst(%dma_wait3A_551 : memref<80xi32, #tpu.memory_space<vmem>>)
        %scan3A_554 = arith.constant 0 : i32
        %scan3A_555 = arith.constant 0 : i32
        %scan3A_556 = arith.constant 5 : i32
        %scan3A_557 = arith.addi %scan3A_555, %scan3A_556 : i32
        %scan3A_558 = arith.constant 1 : i32
        scf.for %scan3A_596 = %scan3A_555 to %scan3A_557 step %scan3A_558  : i32 {
          %mul3A_597 = arith.constant 16 : i32
          %mul3A_598 = arith.muli %scan3A_596, %mul3A_597 : i32
          %get3A = arith.constant 1 : i32
          %get3A_599 = arith.index_cast %get3A : i32 to index
          %get3A_600 = arith.index_cast %mul3A_598 : i32 to index
          %get3A_601 = tpu.vector_load %arg6[%get3A_599, %get3A_600] {strides = array<i32>} : memref<4x80xi32, #tpu.memory_space<vmem>>, vector<1x16xi32>,
          %get3A_602 = vector.shape_cast %get3A_601 : vector<1x16xi32> to vector<16xi32>
          %max3A = arith.constant 0 : i32
          %max3A_603 = vector.broadcast %max3A : i32 to vector<16xi32>
          %max3A_604 = arith.maxsi %get3A_602, %max3A_603 : vector<16xi32>
          %min3A = arith.constant 99999 : i32
          %min3A_605 = vector.broadcast %min3A : i32 to vector<16xi32>
          %min3A_606 = arith.minsi %max3A_604, %min3A_605 : vector<16xi32>
          %mul3A_607 = arith.constant 16 : i32
          %mul3A_608 = arith.muli %scan3A_596, %mul3A_607 : i32
          %swap3A = arith.constant 1 : i32
          %swap3A_609 = arith.index_cast %swap3A : i32 to index
          %swap3A_610 = arith.index_cast %mul3A_608 : i32 to index
          %swap3A_611 = tpu.vector_load %arg6[%swap3A_609, %swap3A_610] {strides = array<i32>} : memref<4x80xi32, #tpu.memory_space<vmem>>, vector<1x16xi32>,
          %swap3A_612 = vector.shape_cast %swap3A_611 : vector<1x16xi32> to vector<16xi32>
          %swap3A_613 = vector.shape_cast %min3A_606 : vector<16xi32> to vector<1x16xi32>
          tpu.vector_store %arg6[%swap3A_609, %swap3A_610], %swap3A_613 {strides = array<i32>} : memref<4x80xi32, #tpu.memory_space<vmem>>, vector<1x16xi32>,
        }
        %scan3A_559 = arith.constant 5 : i32
        %add3A_560 = arith.constant 2 : i32
        %add3A_561 = arith.addi %add3A_463, %add3A_560 : i32
        %dma_start3A_562 = arith.constant 1 : i32
        %dma_start3A_563 = arith.constant 1 : i32
        %dma_start3A_564 = arith.constant 1 : i32
        %dma_start3A_565 = arith.constant 0 : i32
        %dma_start3A_566 = arith.constant 0 : i32
        %dma_start3A_567 = tpu.memref_slice %arg7[%dma_start3A_563, %dma_start3A_565, %dma_start3A_566] : memref<4x80x128xf32, #tpu.memory_space<vmem>> -> memref<1x80x128xf32, #tpu.memory_space<vmem>>
        %dma_start3A_568 = tpu.memref_squeeze %dma_start3A_567 : memref<1x80x128xf32, #tpu.memory_space<vmem>> -> memref<80x128xf32, #tpu.memory_space<vmem>>
        %dma_start3A_569 = arith.constant 0 : i32
        %dma_start3A_570 = tpu.memref_slice %arg6[%dma_start3A_562, %dma_start3A_569] : memref<4x80xi32, #tpu.memory_space<vmem>> -> memref<1x80xi32, #tpu.memory_space<vmem>>
        %dma_start3A_571 = tpu.memref_squeeze %dma_start3A_570 : memref<1x80xi32, #tpu.memory_space<vmem>> -> memref<80xi32, #tpu.memory_space<vmem>>
        %dma_start3A_572 = arith.constant 0 : i32
        %dma_start3A_573 = arith.constant 0 : i32
        %dma_start3A_574 = tpu.memref_slice %arg4[%dma_start3A_572, %dma_start3A_573] : memref<100000x128xf32, #tpu.memory_space<hbm>> -> memref<100000x128xf32, #tpu.memory_space<hbm>>
        %dma_start3A_575 = tpu.memref_slice %arg10[%dma_start3A_564] : memref<4x!tpu.dma_semaphore, #tpu.memory_space<semaphore_mem>> -> memref<1x!tpu.dma_semaphore, #tpu.memory_space<semaphore_mem>>
        %dma_start3A_576 = tpu.memref_squeeze %dma_start3A_575 : memref<1x!tpu.dma_semaphore, #tpu.memory_space<semaphore_mem>> -> memref<!tpu.dma_semaphore, #tpu.memory_space<semaphore_mem>>
        tpu.enqueue_indirect_dma source(%dma_start3A_574 : memref<100000x128xf32, #tpu.memory_space<hbm>>) target(%dma_start3A_568 : memref<80x128xf32, #tpu.memory_space<vmem>>) offsets(%dma_start3A_571 : memref<80xi32, #tpu.memory_space<vmem>>) semaphore(%dma_start3A_576 : memref<!tpu.dma_semaphore, #tpu.memory_space<semaphore_mem>>)
        %mul3A_577 = arith.constant 80 : i32
        %mul3A_578 = arith.muli %add3A_561, %mul3A_577 : i32
        %add3A_579 = arith.addi %mul3A_2, %mul3A_578 : i32
        %dma_start3A_580 = arith.constant 1 : i32
        %dma_start3A_581 = arith.constant 1 : i32
        %dma_start3A_582 = arith.constant 0 : i32
        %dma_start3A_583 = arith.constant 0 : i32
        %dma_start3A_584 = tpu.memref_slice %arg8[%dma_start3A_580, %dma_start3A_582, %dma_start3A_583] : memref<4x80x128xf32, #tpu.memory_space<vmem>> -> memref<1x80x128xf32, #tpu.memory_space<vmem>>
        %dma_start3A_585 = tpu.memref_squeeze %dma_start3A_584 : memref<1x80x128xf32, #tpu.memory_space<vmem>> -> memref<80x128xf32, #tpu.memory_space<vmem>>
        %dma_start3A_586 = arith.constant 0 : i32
        %dma_start3A_587 = tpu.memref_slice %arg2[%add3A_579, %dma_start3A_586] : memref<819200x128xf32, #tpu.memory_space<hbm>> -> memref<80x128xf32, #tpu.memory_space<hbm>>
        %dma_start3A_588 = tpu.memref_slice %arg11[%dma_start3A_581] : memref<4x!tpu.dma_semaphore, #tpu.memory_space<semaphore_mem>> -> memref<1x!tpu.dma_semaphore, #tpu.memory_space<semaphore_mem>>
        %dma_start3A_589 = tpu.memref_squeeze %dma_start3A_588 : memref<1x!tpu.dma_semaphore, #tpu.memory_space<semaphore_mem>> -> memref<!tpu.dma_semaphore, #tpu.memory_space<semaphore_mem>>
        %dma_start3A_590 = arith.constant 0 : i32
        %dma_start3A_591 = arith.constant 0 : i32
        %dma_start3A_592 = tpu.memref_slice %arg8[%dma_start3A_580, %dma_start3A_590, %dma_start3A_591] : memref<4x80x128xf32, #tpu.memory_space<vmem>> -> memref<1x80x128xf32, #tpu.memory_space<vmem>>
        %dma_start3A_593 = tpu.memref_squeeze %dma_start3A_592 : memref<1x80x128xf32, #tpu.memory_space<vmem>> -> memref<80x128xf32, #tpu.memory_space<vmem>>
        %dma_start3A_594 = arith.constant 0 : i32
        %dma_start3A_595 = tpu.memref_slice %arg2[%add3A_579, %dma_start3A_594] : memref<819200x128xf32, #tpu.memory_space<hbm>> -> memref<80x128xf32, #tpu.memory_space<hbm>>
        tpu.enqueue_dma source(%dma_start3A_595 : memref<80x128xf32, #tpu.memory_space<hbm>>) target(%dma_start3A_593 : memref<80x128xf32, #tpu.memory_space<vmem>>) target_semaphore(%dma_start3A_589 : memref<!tpu.dma_semaphore, #tpu.memory_space<semaphore_mem>>)
      } else {
      }
      %dma_wait3A_471 = arith.constant 3 : i32
      %dma_wait3A_472 = arith.constant 3 : i32
      %dma_wait3A_473 = arith.constant 3 : i32
      %dma_wait3A_474 = arith.constant 0 : i32
      %dma_wait3A_475 = arith.constant 0 : i32
      %dma_wait3A_476 = tpu.memref_slice %arg7[%dma_wait3A_472, %dma_wait3A_474, %dma_wait3A_475] : memref<4x80x128xf32, #tpu.memory_space<vmem>> -> memref<1x80x128xf32, #tpu.memory_space<vmem>>
      %dma_wait3A_477 = tpu.memref_squeeze %dma_wait3A_476 : memref<1x80x128xf32, #tpu.memory_space<vmem>> -> memref<80x128xf32, #tpu.memory_space<vmem>>
      %dma_wait3A_478 = arith.constant 0 : i32
      %dma_wait3A_479 = tpu.memref_slice %arg6[%dma_wait3A_471, %dma_wait3A_478] : memref<4x80xi32, #tpu.memory_space<vmem>> -> memref<1x80xi32, #tpu.memory_space<vmem>>
      %dma_wait3A_480 = tpu.memref_squeeze %dma_wait3A_479 : memref<1x80xi32, #tpu.memory_space<vmem>> -> memref<80xi32, #tpu.memory_space<vmem>>
      %dma_wait3A_481 = arith.constant 0 : i32
      %dma_wait3A_482 = arith.constant 0 : i32
      %dma_wait3A_483 = tpu.memref_slice %arg4[%dma_wait3A_481, %dma_wait3A_482] : memref<100000x128xf32, #tpu.memory_space<hbm>> -> memref<100000x128xf32, #tpu.memory_space<hbm>>
      %dma_wait3A_484 = tpu.memref_slice %arg10[%dma_wait3A_473] : memref<4x!tpu.dma_semaphore, #tpu.memory_space<semaphore_mem>> -> memref<1x!tpu.dma_semaphore, #tpu.memory_space<semaphore_mem>>
      %dma_wait3A_485 = tpu.memref_squeeze %dma_wait3A_484 : memref<1x!tpu.dma_semaphore, #tpu.memory_space<semaphore_mem>> -> memref<!tpu.dma_semaphore, #tpu.memory_space<semaphore_mem>>
      tpu.wait_indirect_dma semaphore(%dma_wait3A_485 : memref<!tpu.dma_semaphore, #tpu.memory_space<semaphore_mem>>) src(%dma_wait3A_483 : memref<100000x128xf32, #tpu.memory_space<hbm>>) dst(%dma_wait3A_477 : memref<80x128xf32, #tpu.memory_space<vmem>>)
      %dma_wait3A_486 = arith.constant 3 : i32
      %dma_wait3A_487 = arith.constant 3 : i32
      %dma_wait3A_488 = arith.constant 0 : i32
      %dma_wait3A_489 = arith.constant 0 : i32
      %dma_wait3A_490 = tpu.memref_slice %arg8[%dma_wait3A_486, %dma_wait3A_488, %dma_wait3A_489] : memref<4x80x128xf32, #tpu.memory_space<vmem>> -> memref<1x80x128xf32, #tpu.memory_space<vmem>>
      %dma_wait3A_491 = tpu.memref_squeeze %dma_wait3A_490 : memref<1x80x128xf32, #tpu.memory_space<vmem>> -> memref<80x128xf32, #tpu.memory_space<vmem>>
      %dma_wait3A_492 = arith.constant 0 : i32
      %dma_wait3A_493 = arith.constant 0 : i32
      %dma_wait3A_494 = tpu.memref_slice %arg2[%dma_wait3A_492, %dma_wait3A_493] : memref<819200x128xf32, #tpu.memory_space<hbm>> -> memref<80x128xf32, #tpu.memory_space<hbm>>
      %dma_wait3A_495 = tpu.memref_slice %arg11[%dma_wait3A_487] : memref<4x!tpu.dma_semaphore, #tpu.memory_space<semaphore_mem>> -> memref<1x!tpu.dma_semaphore, #tpu.memory_space<semaphore_mem>>
      %dma_wait3A_496 = tpu.memref_squeeze %dma_wait3A_495 : memref<1x!tpu.dma_semaphore, #tpu.memory_space<semaphore_mem>> -> memref<!tpu.dma_semaphore, #tpu.memory_space<semaphore_mem>>
      %dma_wait3A_497 = arith.constant 0 : i32
      %dma_wait3A_498 = arith.constant 0 : i32
      %dma_wait3A_499 = tpu.memref_slice %arg8[%dma_wait3A_486, %dma_wait3A_497, %dma_wait3A_498] : memref<4x80x128xf32, #tpu.memory_space<vmem>> -> memref<1x80x128xf32, #tpu.memory_space<vmem>>
      %dma_wait3A_500 = tpu.memref_squeeze %dma_wait3A_499 : memref<1x80x128xf32, #tpu.memory_space<vmem>> -> memref<80x128xf32, #tpu.memory_space<vmem>>
      %dma_wait3A_501 = arith.constant 0 : i32
      %dma_wait3A_502 = arith.constant 0 : i32
      %dma_wait3A_503 = tpu.memref_slice %arg2[%dma_wait3A_501, %dma_wait3A_502] : memref<819200x128xf32, #tpu.memory_space<hbm>> -> memref<80x128xf32, #tpu.memory_space<hbm>>
      tpu.wait_dma2 semaphore(%dma_wait3A_496 : memref<!tpu.dma_semaphore, #tpu.memory_space<semaphore_mem>>) src(%dma_wait3A_503 : memref<80x128xf32, #tpu.memory_space<hbm>>) dst(%dma_wait3A_500 : memref<80x128xf32, #tpu.memory_space<vmem>>)
      %add3A_504 = arith.constant 4 : i32
      %add3A_505 = arith.addi %add3A_463, %add3A_504 : i32
      %lt3A_506 = arith.constant 320 : i32
      %lt3A_507 = arith.cmpi slt, %add3A_505, %lt3A_506 : i32
      %convert_element_type3A_508 = arith.extui %lt3A_507 : i1 to i32
      %cond3A_509 = arith.constant 0 : i32
      %cond3A_510 = arith.cmpi ne, %convert_element_type3A_508, %cond3A_509 : i32
      scf.if %cond3A_510 {
        %add3A_536 = arith.constant 4 : i32
        %add3A_537 = arith.addi %add3A_463, %add3A_536 : i32
        %mul3A_538 = arith.constant 80 : i32
        %mul3A_539 = arith.muli %add3A_537, %mul3A_538 : i32
        %add3A_540 = arith.addi %mul3A_2, %mul3A_539 : i32
        %dma_start3A_541 = arith.constant 3 : i32
        %dma_start3A_542 = arith.constant 3 : i32
        %dma_start3A_543 = arith.constant 0 : i32
        %dma_start3A_544 = tpu.memref_slice %arg6[%dma_start3A_541, %dma_start3A_543] : memref<4x80xi32, #tpu.memory_space<vmem>> -> memref<1x80xi32, #tpu.memory_space<vmem>>
        %dma_start3A_545 = tpu.memref_squeeze %dma_start3A_544 : memref<1x80xi32, #tpu.memory_space<vmem>> -> memref<80xi32, #tpu.memory_space<vmem>>
        %dma_start3A_546 = tpu.memref_slice %arg3[%add3A_540] : memref<819200xi32, #tpu.memory_space<hbm>> -> memref<80xi32, #tpu.memory_space<hbm>>
        %dma_start3A_547 = tpu.memref_slice %arg9[%dma_start3A_542] : memref<4x!tpu.dma_semaphore, #tpu.memory_space<semaphore_mem>> -> memref<1x!tpu.dma_semaphore, #tpu.memory_space<semaphore_mem>>
        %dma_start3A_548 = tpu.memref_squeeze %dma_start3A_547 : memref<1x!tpu.dma_semaphore, #tpu.memory_space<semaphore_mem>> -> memref<!tpu.dma_semaphore, #tpu.memory_space<semaphore_mem>>
        %dma_start3A_549 = arith.constant 0 : i32
        %dma_start3A_550 = tpu.memref_slice %arg6[%dma_start3A_541, %dma_start3A_549] : memref<4x80xi32, #tpu.memory_space<vmem>> -> memref<1x80xi32, #tpu.memory_space<vmem>>
        %dma_start3A_551 = tpu.memref_squeeze %dma_start3A_550 : memref<1x80xi32, #tpu.memory_space<vmem>> -> memref<80xi32, #tpu.memory_space<vmem>>
        %dma_start3A_552 = tpu.memref_slice %arg3[%add3A_540] : memref<819200xi32, #tpu.memory_space<hbm>> -> memref<80xi32, #tpu.memory_space<hbm>>
        tpu.enqueue_dma source(%dma_start3A_552 : memref<80xi32, #tpu.memory_space<hbm>>) target(%dma_start3A_551 : memref<80xi32, #tpu.memory_space<vmem>>) target_semaphore(%dma_start3A_548 : memref<!tpu.dma_semaphore, #tpu.memory_space<semaphore_mem>>)
      } else {
      }
      %scan3A_511 = arith.constant 0 : i32
      %scan3A_512 = arith.constant 0 : i32
      %scan3A_513 = arith.constant 80 : i32
      %scan3A_514 = arith.addi %scan3A_512, %scan3A_513 : i32
      %scan3A_515 = arith.constant 1 : i32
      scf.for %scan3A_536 = %scan3A_512 to %scan3A_514 step %scan3A_515  : i32 {
        %get3A = arith.constant 3 : i32
        %get3A_537 = arith.index_cast %get3A : i32 to index
        %get3A_538 = arith.index_cast %scan3A_536 : i32 to index
        %get3A_539 = arith.constant 0 : index
        %get3A_540 = tpu.vector_load %arg8[%get3A_537, %get3A_538, %get3A_539] {strides = array<i32>} : memref<4x80x128xf32, #tpu.memory_space<vmem>>, vector<1x1x16xf32>,
        %get3A_541 = vector.shape_cast %get3A_540 : vector<1x1x16xf32> to vector<16xf32>
        %swap3A = arith.constant 3 : i32
        %swap3A_542 = arith.index_cast %swap3A : i32 to index
        %swap3A_543 = arith.index_cast %scan3A_536 : i32 to index
        %swap3A_544 = arith.constant 0 : index
        %swap3A_545 = tpu.vector_load %arg7[%swap3A_542, %swap3A_543, %swap3A_544] {strides = array<i32>} : memref<4x80x128xf32, #tpu.memory_space<vmem>>, vector<1x1x16xf32>,
        %swap3A_546 = vector.shape_cast %swap3A_545 : vector<1x1x16xf32> to vector<16xf32>
        %swap3A_547 = vector.shape_cast %get3A_541 : vector<16xf32> to vector<1x1x16xf32>
        tpu.vector_store %arg7[%swap3A_542, %swap3A_543, %swap3A_544], %swap3A_547 {add = true, strides = array<i32>} : memref<4x80x128xf32, #tpu.memory_space<vmem>>, vector<1x1x16xf32>,
        %get3A_548 = arith.constant 3 : i32
        %get3A_549 = arith.index_cast %get3A_548 : i32 to index
        %get3A_550 = arith.index_cast %scan3A_536 : i32 to index
        %get3A_551 = arith.constant 16 : index
        %get3A_552 = tpu.vector_load %arg8[%get3A_549, %get3A_550, %get3A_551] {strides = array<i32>} : memref<4x80x128xf32, #tpu.memory_space<vmem>>, vector<1x1x16xf32>,
        %get3A_553 = vector.shape_cast %get3A_552 : vector<1x1x16xf32> to vector<16xf32>
        %swap3A_554 = arith.constant 3 : i32
        %swap3A_555 = arith.index_cast %swap3A_554 : i32 to index
        %swap3A_556 = arith.index_cast %scan3A_536 : i32 to index
        %swap3A_557 = arith.constant 16 : index
        %swap3A_558 = tpu.vector_load %arg7[%swap3A_555, %swap3A_556, %swap3A_557] {strides = array<i32>} : memref<4x80x128xf32, #tpu.memory_space<vmem>>, vector<1x1x16xf32>,
        %swap3A_559 = vector.shape_cast %swap3A_558 : vector<1x1x16xf32> to vector<16xf32>
        %swap3A_560 = vector.shape_cast %get3A_553 : vector<16xf32> to vector<1x1x16xf32>
        tpu.vector_store %arg7[%swap3A_555, %swap3A_556, %swap3A_557], %swap3A_560 {add = true, strides = array<i32>} : memref<4x80x128xf32, #tpu.memory_space<vmem>>, vector<1x1x16xf32>,
        %get3A_561 = arith.constant 3 : i32
        %get3A_562 = arith.index_cast %get3A_561 : i32 to index
        %get3A_563 = arith.index_cast %scan3A_536 : i32 to index
        %get3A_564 = arith.constant 32 : index
        %get3A_565 = tpu.vector_load %arg8[%get3A_562, %get3A_563, %get3A_564] {strides = array<i32>} : memref<4x80x128xf32, #tpu.memory_space<vmem>>, vector<1x1x16xf32>,
        %get3A_566 = vector.shape_cast %get3A_565 : vector<1x1x16xf32> to vector<16xf32>
        %swap3A_567 = arith.constant 3 : i32
        %swap3A_568 = arith.index_cast %swap3A_567 : i32 to index
        %swap3A_569 = arith.index_cast %scan3A_536 : i32 to index
        %swap3A_570 = arith.constant 32 : index
        %swap3A_571 = tpu.vector_load %arg7[%swap3A_568, %swap3A_569, %swap3A_570] {strides = array<i32>} : memref<4x80x128xf32, #tpu.memory_space<vmem>>, vector<1x1x16xf32>,
        %swap3A_572 = vector.shape_cast %swap3A_571 : vector<1x1x16xf32> to vector<16xf32>
        %swap3A_573 = vector.shape_cast %get3A_566 : vector<16xf32> to vector<1x1x16xf32>
        tpu.vector_store %arg7[%swap3A_568, %swap3A_569, %swap3A_570], %swap3A_573 {add = true, strides = array<i32>} : memref<4x80x128xf32, #tpu.memory_space<vmem>>, vector<1x1x16xf32>,
        %get3A_574 = arith.constant 3 : i32
        %get3A_575 = arith.index_cast %get3A_574 : i32 to index
        %get3A_576 = arith.index_cast %scan3A_536 : i32 to index
        %get3A_577 = arith.constant 48 : index
        %get3A_578 = tpu.vector_load %arg8[%get3A_575, %get3A_576, %get3A_577] {strides = array<i32>} : memref<4x80x128xf32, #tpu.memory_space<vmem>>, vector<1x1x16xf32>,
        %get3A_579 = vector.shape_cast %get3A_578 : vector<1x1x16xf32> to vector<16xf32>
        %swap3A_580 = arith.constant 3 : i32
        %swap3A_581 = arith.index_cast %swap3A_580 : i32 to index
        %swap3A_582 = arith.index_cast %scan3A_536 : i32 to index
        %swap3A_583 = arith.constant 48 : index
        %swap3A_584 = tpu.vector_load %arg7[%swap3A_581, %swap3A_582, %swap3A_583] {strides = array<i32>} : memref<4x80x128xf32, #tpu.memory_space<vmem>>, vector<1x1x16xf32>,
        %swap3A_585 = vector.shape_cast %swap3A_584 : vector<1x1x16xf32> to vector<16xf32>
        %swap3A_586 = vector.shape_cast %get3A_579 : vector<16xf32> to vector<1x1x16xf32>
        tpu.vector_store %arg7[%swap3A_581, %swap3A_582, %swap3A_583], %swap3A_586 {add = true, strides = array<i32>} : memref<4x80x128xf32, #tpu.memory_space<vmem>>, vector<1x1x16xf32>,
        %get3A_587 = arith.constant 3 : i32
        %get3A_588 = arith.index_cast %get3A_587 : i32 to index
        %get3A_589 = arith.index_cast %scan3A_536 : i32 to index
        %get3A_590 = arith.constant 64 : index
        %get3A_591 = tpu.vector_load %arg8[%get3A_588, %get3A_589, %get3A_590] {strides = array<i32>} : memref<4x80x128xf32, #tpu.memory_space<vmem>>, vector<1x1x16xf32>,
        %get3A_592 = vector.shape_cast %get3A_591 : vector<1x1x16xf32> to vector<16xf32>
        %swap3A_593 = arith.constant 3 : i32
        %swap3A_594 = arith.index_cast %swap3A_593 : i32 to index
        %swap3A_595 = arith.index_cast %scan3A_536 : i32 to index
        %swap3A_596 = arith.constant 64 : index
        %swap3A_597 = tpu.vector_load %arg7[%swap3A_594, %swap3A_595, %swap3A_596] {strides = array<i32>} : memref<4x80x128xf32, #tpu.memory_space<vmem>>, vector<1x1x16xf32>,
        %swap3A_598 = vector.shape_cast %swap3A_597 : vector<1x1x16xf32> to vector<16xf32>
        %swap3A_599 = vector.shape_cast %get3A_592 : vector<16xf32> to vector<1x1x16xf32>
        tpu.vector_store %arg7[%swap3A_594, %swap3A_595, %swap3A_596], %swap3A_599 {add = true, strides = array<i32>} : memref<4x80x128xf32, #tpu.memory_space<vmem>>, vector<1x1x16xf32>,
        %get3A_600 = arith.constant 3 : i32
        %get3A_601 = arith.index_cast %get3A_600 : i32 to index
        %get3A_602 = arith.index_cast %scan3A_536 : i32 to index
        %get3A_603 = arith.constant 80 : index
        %get3A_604 = tpu.vector_load %arg8[%get3A_601, %get3A_602, %get3A_603] {strides = array<i32>} : memref<4x80x128xf32, #tpu.memory_space<vmem>>, vector<1x1x16xf32>,
        %get3A_605 = vector.shape_cast %get3A_604 : vector<1x1x16xf32> to vector<16xf32>
        %swap3A_606 = arith.constant 3 : i32
        %swap3A_607 = arith.index_cast %swap3A_606 : i32 to index
        %swap3A_608 = arith.index_cast %scan3A_536 : i32 to index
        %swap3A_609 = arith.constant 80 : index
        %swap3A_610 = tpu.vector_load %arg7[%swap3A_607, %swap3A_608, %swap3A_609] {strides = array<i32>} : memref<4x80x128xf32, #tpu.memory_space<vmem>>, vector<1x1x16xf32>,
        %swap3A_611 = vector.shape_cast %swap3A_610 : vector<1x1x16xf32> to vector<16xf32>
        %swap3A_612 = vector.shape_cast %get3A_605 : vector<16xf32> to vector<1x1x16xf32>
        tpu.vector_store %arg7[%swap3A_607, %swap3A_608, %swap3A_609], %swap3A_612 {add = true, strides = array<i32>} : memref<4x80x128xf32, #tpu.memory_space<vmem>>, vector<1x1x16xf32>,
        %get3A_613 = arith.constant 3 : i32
        %get3A_614 = arith.index_cast %get3A_613 : i32 to index
        %get3A_615 = arith.index_cast %scan3A_536 : i32 to index
        %get3A_616 = arith.constant 96 : index
        %get3A_617 = tpu.vector_load %arg8[%get3A_614, %get3A_615, %get3A_616] {strides = array<i32>} : memref<4x80x128xf32, #tpu.memory_space<vmem>>, vector<1x1x16xf32>,
        %get3A_618 = vector.shape_cast %get3A_617 : vector<1x1x16xf32> to vector<16xf32>
        %swap3A_619 = arith.constant 3 : i32
        %swap3A_620 = arith.index_cast %swap3A_619 : i32 to index
        %swap3A_621 = arith.index_cast %scan3A_536 : i32 to index
        %swap3A_622 = arith.constant 96 : index
        %swap3A_623 = tpu.vector_load %arg7[%swap3A_620, %swap3A_621, %swap3A_622] {strides = array<i32>} : memref<4x80x128xf32, #tpu.memory_space<vmem>>, vector<1x1x16xf32>,
        %swap3A_624 = vector.shape_cast %swap3A_623 : vector<1x1x16xf32> to vector<16xf32>
        %swap3A_625 = vector.shape_cast %get3A_618 : vector<16xf32> to vector<1x1x16xf32>
        tpu.vector_store %arg7[%swap3A_620, %swap3A_621, %swap3A_622], %swap3A_625 {add = true, strides = array<i32>} : memref<4x80x128xf32, #tpu.memory_space<vmem>>, vector<1x1x16xf32>,
        %get3A_626 = arith.constant 3 : i32
        %get3A_627 = arith.index_cast %get3A_626 : i32 to index
        %get3A_628 = arith.index_cast %scan3A_536 : i32 to index
        %get3A_629 = arith.constant 112 : index
        %get3A_630 = tpu.vector_load %arg8[%get3A_627, %get3A_628, %get3A_629] {strides = array<i32>} : memref<4x80x128xf32, #tpu.memory_space<vmem>>, vector<1x1x16xf32>,
        %get3A_631 = vector.shape_cast %get3A_630 : vector<1x1x16xf32> to vector<16xf32>
        %swap3A_632 = arith.constant 3 : i32
        %swap3A_633 = arith.index_cast %swap3A_632 : i32 to index
        %swap3A_634 = arith.index_cast %scan3A_536 : i32 to index
        %swap3A_635 = arith.constant 112 : index
        %swap3A_636 = tpu.vector_load %arg7[%swap3A_633, %swap3A_634, %swap3A_635] {strides = array<i32>} : memref<4x80x128xf32, #tpu.memory_space<vmem>>, vector<1x1x16xf32>,
        %swap3A_637 = vector.shape_cast %swap3A_636 : vector<1x1x16xf32> to vector<16xf32>
        %swap3A_638 = vector.shape_cast %get3A_631 : vector<16xf32> to vector<1x1x16xf32>
        tpu.vector_store %arg7[%swap3A_633, %swap3A_634, %swap3A_635], %swap3A_638 {add = true, strides = array<i32>} : memref<4x80x128xf32, #tpu.memory_space<vmem>>, vector<1x1x16xf32>,
      }
      %scan3A_516 = arith.constant 80 : i32
      %mul3A_517 = arith.constant 80 : i32
      %mul3A_518 = arith.muli %add3A_463, %mul3A_517 : i32
      %add3A_519 = arith.addi %mul3A_2, %mul3A_518 : i32
      %dma_start3A_520 = arith.constant 3 : i32
      %dma_start3A_521 = arith.constant 3 : i32
      %dma_start3A_522 = arith.constant 0 : i32
      %dma_start3A_523 = arith.constant 0 : i32
      %dma_start3A_524 = tpu.memref_slice %arg7[%dma_start3A_520, %dma_start3A_522, %dma_start3A_523] : memref<4x80x128xf32, #tpu.memory_space<vmem>> -> memref<1x80x128xf32, #tpu.memory_space<vmem>>
      %dma_start3A_525 = tpu.memref_squeeze %dma_start3A_524 : memref<1x80x128xf32, #tpu.memory_space<vmem>> -> memref<80x128xf32, #tpu.memory_space<vmem>>
      %dma_start3A_526 = arith.constant 0 : i32
      %dma_start3A_527 = tpu.memref_slice %arg5[%add3A_519, %dma_start3A_526] : memref<819200x128xf32, #tpu.memory_space<hbm>> -> memref<80x128xf32, #tpu.memory_space<hbm>>
      %dma_start3A_528 = tpu.memref_slice %arg12[%dma_start3A_521] : memref<4x!tpu.dma_semaphore, #tpu.memory_space<semaphore_mem>> -> memref<1x!tpu.dma_semaphore, #tpu.memory_space<semaphore_mem>>
      %dma_start3A_529 = tpu.memref_squeeze %dma_start3A_528 : memref<1x!tpu.dma_semaphore, #tpu.memory_space<semaphore_mem>> -> memref<!tpu.dma_semaphore, #tpu.memory_space<semaphore_mem>>
      %dma_start3A_530 = arith.constant 0 : i32
      %dma_start3A_531 = tpu.memref_slice %arg5[%add3A_519, %dma_start3A_530] : memref<819200x128xf32, #tpu.memory_space<hbm>> -> memref<80x128xf32, #tpu.memory_space<hbm>>
      %dma_start3A_532 = arith.constant 0 : i32
      %dma_start3A_533 = arith.constant 0 : i32
      %dma_start3A_534 = tpu.memref_slice %arg7[%dma_start3A_520, %dma_start3A_532, %dma_start3A_533] : memref<4x80x128xf32, #tpu.memory_space<vmem>> -> memref<1x80x128xf32, #tpu.memory_space<vmem>>
      %dma_start3A_535 = tpu.memref_squeeze %dma_start3A_534 : memref<1x80x128xf32, #tpu.memory_space<vmem>> -> memref<80x128xf32, #tpu.memory_space<vmem>>
      tpu.enqueue_dma source(%dma_start3A_535 : memref<80x128xf32, #tpu.memory_space<vmem>>) target(%dma_start3A_531 : memref<80x128xf32, #tpu.memory_space<hbm>>) target_semaphore(%dma_start3A_529 : memref<!tpu.dma_semaphore, #tpu.memory_space<semaphore_mem>>)
    }
    %scan3A_167 = arith.constant 80 : i32
    %dma_wait3A_168 = arith.constant 0 : i32
    %dma_wait3A_169 = arith.constant 0 : i32
    %dma_wait3A_170 = arith.constant 0 : i32
    %dma_wait3A_171 = arith.constant 0 : i32
    %dma_wait3A_172 = tpu.memref_slice %arg7[%dma_wait3A_168, %dma_wait3A_170, %dma_wait3A_171] : memref<4x80x128xf32, #tpu.memory_space<vmem>> -> memref<1x80x128xf32, #tpu.memory_space<vmem>>
    %dma_wait3A_173 = tpu.memref_squeeze %dma_wait3A_172 : memref<1x80x128xf32, #tpu.memory_space<vmem>> -> memref<80x128xf32, #tpu.memory_space<vmem>>
    %dma_wait3A_174 = arith.constant 0 : i32
    %dma_wait3A_175 = arith.constant 0 : i32
    %dma_wait3A_176 = tpu.memref_slice %arg5[%dma_wait3A_174, %dma_wait3A_175] : memref<819200x128xf32, #tpu.memory_space<hbm>> -> memref<80x128xf32, #tpu.memory_space<hbm>>
    %dma_wait3A_177 = tpu.memref_slice %arg12[%dma_wait3A_169] : memref<4x!tpu.dma_semaphore, #tpu.memory_space<semaphore_mem>> -> memref<1x!tpu.dma_semaphore, #tpu.memory_space<semaphore_mem>>
    %dma_wait3A_178 = tpu.memref_squeeze %dma_wait3A_177 : memref<1x!tpu.dma_semaphore, #tpu.memory_space<semaphore_mem>> -> memref<!tpu.dma_semaphore, #tpu.memory_space<semaphore_mem>>
    %dma_wait3A_179 = arith.constant 0 : i32
    %dma_wait3A_180 = arith.constant 0 : i32
    %dma_wait3A_181 = tpu.memref_slice %arg5[%dma_wait3A_179, %dma_wait3A_180] : memref<819200x128xf32, #tpu.memory_space<hbm>> -> memref<80x128xf32, #tpu.memory_space<hbm>>
    %dma_wait3A_182 = arith.constant 0 : i32
    %dma_wait3A_183 = arith.constant 0 : i32
    %dma_wait3A_184 = tpu.memref_slice %arg7[%dma_wait3A_168, %dma_wait3A_182, %dma_wait3A_183] : memref<4x80x128xf32, #tpu.memory_space<vmem>> -> memref<1x80x128xf32, #tpu.memory_space<vmem>>
    %dma_wait3A_185 = tpu.memref_squeeze %dma_wait3A_184 : memref<1x80x128xf32, #tpu.memory_space<vmem>> -> memref<80x128xf32, #tpu.memory_space<vmem>>
    tpu.wait_dma2 semaphore(%dma_wait3A_178 : memref<!tpu.dma_semaphore, #tpu.memory_space<semaphore_mem>>) src(%dma_wait3A_185 : memref<80x128xf32, #tpu.memory_space<vmem>>) dst(%dma_wait3A_181 : memref<80x128xf32, #tpu.memory_space<hbm>>)
    %dma_wait3A_186 = arith.constant 1 : i32
    %dma_wait3A_187 = arith.constant 1 : i32
    %dma_wait3A_188 = arith.constant 0 : i32
    %dma_wait3A_189 = arith.constant 0 : i32
    %dma_wait3A_190 = tpu.memref_slice %arg7[%dma_wait3A_186, %dma_wait3A_188, %dma_wait3A_189] : memref<4x80x128xf32, #tpu.memory_space<vmem>> -> memref<1x80x128xf32, #tpu.memory_space<vmem>>
    %dma_wait3A_191 = tpu.memref_squeeze %dma_wait3A_190 : memref<1x80x128xf32, #tpu.memory_space<vmem>> -> memref<80x128xf32, #tpu.memory_space<vmem>>
    %dma_wait3A_192 = arith.constant 0 : i32
    %dma_wait3A_193 = arith.constant 0 : i32
    %dma_wait3A_194 = tpu.memref_slice %arg5[%dma_wait3A_192, %dma_wait3A_193] : memref<819200x128xf32, #tpu.memory_space<hbm>> -> memref<80x128xf32, #tpu.memory_space<hbm>>
    %dma_wait3A_195 = tpu.memref_slice %arg12[%dma_wait3A_187] : memref<4x!tpu.dma_semaphore, #tpu.memory_space<semaphore_mem>> -> memref<1x!tpu.dma_semaphore, #tpu.memory_space<semaphore_mem>>
    %dma_wait3A_196 = tpu.memref_squeeze %dma_wait3A_195 : memref<1x!tpu.dma_semaphore, #tpu.memory_space<semaphore_mem>> -> memref<!tpu.dma_semaphore, #tpu.memory_space<semaphore_mem>>
    %dma_wait3A_197 = arith.constant 0 : i32
    %dma_wait3A_198 = arith.constant 0 : i32
    %dma_wait3A_199 = tpu.memref_slice %arg5[%dma_wait3A_197, %dma_wait3A_198] : memref<819200x128xf32, #tpu.memory_space<hbm>> -> memref<80x128xf32, #tpu.memory_space<hbm>>
    %dma_wait3A_200 = arith.constant 0 : i32
    %dma_wait3A_201 = arith.constant 0 : i32
    %dma_wait3A_202 = tpu.memref_slice %arg7[%dma_wait3A_186, %dma_wait3A_200, %dma_wait3A_201] : memref<4x80x128xf32, #tpu.memory_space<vmem>> -> memref<1x80x128xf32, #tpu.memory_space<vmem>>
    %dma_wait3A_203 = tpu.memref_squeeze %dma_wait3A_202 : memref<1x80x128xf32, #tpu.memory_space<vmem>> -> memref<80x128xf32, #tpu.memory_space<vmem>>
    tpu.wait_dma2 semaphore(%dma_wait3A_196 : memref<!tpu.dma_semaphore, #tpu.memory_space<semaphore_mem>>) src(%dma_wait3A_203 : memref<80x128xf32, #tpu.memory_space<vmem>>) dst(%dma_wait3A_199 : memref<80x128xf32, #tpu.memory_space<hbm>>)
    %dma_wait3A_204 = arith.constant 2 : i32
    %dma_wait3A_205 = arith.constant 2 : i32
    %dma_wait3A_206 = arith.constant 0 : i32
    %dma_wait3A_207 = arith.constant 0 : i32
    %dma_wait3A_208 = tpu.memref_slice %arg7[%dma_wait3A_204, %dma_wait3A_206, %dma_wait3A_207] : memref<4x80x128xf32, #tpu.memory_space<vmem>> -> memref<1x80x128xf32, #tpu.memory_space<vmem>>
    %dma_wait3A_209 = tpu.memref_squeeze %dma_wait3A_208 : memref<1x80x128xf32, #tpu.memory_space<vmem>> -> memref<80x128xf32, #tpu.memory_space<vmem>>
    %dma_wait3A_210 = arith.constant 0 : i32
    %dma_wait3A_211 = arith.constant 0 : i32
    %dma_wait3A_212 = tpu.memref_slice %arg5[%dma_wait3A_210, %dma_wait3A_211] : memref<819200x128xf32, #tpu.memory_space<hbm>> -> memref<80x128xf32, #tpu.memory_space<hbm>>
    %dma_wait3A_213 = tpu.memref_slice %arg12[%dma_wait3A_205] : memref<4x!tpu.dma_semaphore, #tpu.memory_space<semaphore_mem>> -> memref<1x!tpu.dma_semaphore, #tpu.memory_space<semaphore_mem>>
    %dma_wait3A_214 = tpu.memref_squeeze %dma_wait3A_213 : memref<1x!tpu.dma_semaphore, #tpu.memory_space<semaphore_mem>> -> memref<!tpu.dma_semaphore, #tpu.memory_space<semaphore_mem>>
    %dma_wait3A_215 = arith.constant 0 : i32
    %dma_wait3A_216 = arith.constant 0 : i32
    %dma_wait3A_217 = tpu.memref_slice %arg5[%dma_wait3A_215, %dma_wait3A_216] : memref<819200x128xf32, #tpu.memory_space<hbm>> -> memref<80x128xf32, #tpu.memory_space<hbm>>
    %dma_wait3A_218 = arith.constant 0 : i32
    %dma_wait3A_219 = arith.constant 0 : i32
    %dma_wait3A_220 = tpu.memref_slice %arg7[%dma_wait3A_204, %dma_wait3A_218, %dma_wait3A_219] : memref<4x80x128xf32, #tpu.memory_space<vmem>> -> memref<1x80x128xf32, #tpu.memory_space<vmem>>
    %dma_wait3A_221 = tpu.memref_squeeze %dma_wait3A_220 : memref<1x80x128xf32, #tpu.memory_space<vmem>> -> memref<80x128xf32, #tpu.memory_space<vmem>>
    tpu.wait_dma2 semaphore(%dma_wait3A_214 : memref<!tpu.dma_semaphore, #tpu.memory_space<semaphore_mem>>) src(%dma_wait3A_221 : memref<80x128xf32, #tpu.memory_space<vmem>>) dst(%dma_wait3A_217 : memref<80x128xf32, #tpu.memory_space<hbm>>)
    %dma_wait3A_222 = arith.constant 3 : i32
    %dma_wait3A_223 = arith.constant 3 : i32
    %dma_wait3A_224 = arith.constant 0 : i32
    %dma_wait3A_225 = arith.constant 0 : i32
    %dma_wait3A_226 = tpu.memref_slice %arg7[%dma_wait3A_222, %dma_wait3A_224, %dma_wait3A_225] : memref<4x80x128xf32, #tpu.memory_space<vmem>> -> memref<1x80x128xf32, #tpu.memory_space<vmem>>
    %dma_wait3A_227 = tpu.memref_squeeze %dma_wait3A_226 : memref<1x80x128xf32, #tpu.memory_space<vmem>> -> memref<80x128xf32, #tpu.memory_space<vmem>>
    %dma_wait3A_228 = arith.constant 0 : i32
    %dma_wait3A_229 = arith.constant 0 : i32
    %dma_wait3A_230 = tpu.memref_slice %arg5[%dma_wait3A_228, %dma_wait3A_229] : memref<819200x128xf32, #tpu.memory_space<hbm>> -> memref<80x128xf32, #tpu.memory_space<hbm>>
    %dma_wait3A_231 = tpu.memref_slice %arg12[%dma_wait3A_223] : memref<4x!tpu.dma_semaphore, #tpu.memory_space<semaphore_mem>> -> memref<1x!tpu.dma_semaphore, #tpu.memory_space<semaphore_mem>>
    %dma_wait3A_232 = tpu.memref_squeeze %dma_wait3A_231 : memref<1x!tpu.dma_semaphore, #tpu.memory_space<semaphore_mem>> -> memref<!tpu.dma_semaphore, #tpu.memory_space<semaphore_mem>>
    %dma_wait3A_233 = arith.constant 0 : i32
    %dma_wait3A_234 = arith.constant 0 : i32
    %dma_wait3A_235 = tpu.memref_slice %arg5[%dma_wait3A_233, %dma_wait3A_234] : memref<819200x128xf32, #tpu.memory_space<hbm>> -> memref<80x128xf32, #tpu.memory_space<hbm>>
    %dma_wait3A_236 = arith.constant 0 : i32
    %dma_wait3A_237 = arith.constant 0 : i32
    %dma_wait3A_238 = tpu.memref_slice %arg7[%dma_wait3A_222, %dma_wait3A_236, %dma_wait3A_237] : memref<4x80x128xf32, #tpu.memory_space<vmem>> -> memref<1x80x128xf32, #tpu.memory_space<vmem>>
    %dma_wait3A_239 = tpu.memref_squeeze %dma_wait3A_238 : memref<1x80x128xf32, #tpu.memory_space<vmem>> -> memref<80x128xf32, #tpu.memory_space<vmem>>
    tpu.wait_dma2 semaphore(%dma_wait3A_232 : memref<!tpu.dma_semaphore, #tpu.memory_space<semaphore_mem>>) src(%dma_wait3A_239 : memref<80x128xf32, #tpu.memory_space<vmem>>) dst(%dma_wait3A_235 : memref<80x128xf32, #tpu.memory_space<hbm>>)
    return
  }
}

</mosaic_0001>

<sc_bundles>
// kernel: kernel.3.cloned.1.call-start
scs
__scs_entry_jumppad:
0x0: {  	(pc) =	sbr.rel $0x88, $3  }
0x1: {  	(tag) =	ssettag $0x0;
	lr =	simm.s32 $0x1  }
0x2: {  	[smem:$0x3F9E] =	sst lr;
	_ =	strace $0xD0000000  }
0x3: {  	_ = 	snop  }
0x4: {  	_ = 	snop  }
0x5: {  	_ = 	snop  }
0x6: {  	_ = 	snop  }
0x7: {  	_ = 	snop  }
__scs_overlays_trampoline_lowered:
0x8: {  	[smem:$0x3FAD] =	sst s0  }
0x9: {  	[smem:$0x3FAE] =	sst s1  }
0xa: {  	[smem:$0x3FAF] =	sst s2  }
0xb: {  	[smem:$0x3FB0] =	sst s3  }
0xc: {  	[smem:$0x3FB1] =	sst s4  }
0xd: {  	[smem:$0x3FB2] =	sst s5  }
0xe: {  	[smem:$0x3FB3] =	sst s6  }
0xf: {  	[smem:$0x3FB4] =	sst s7  }
0x10: {  	[smem:$0x3FB5] =	sst s8  }
0x11: {  	[smem:$0x3FB6] =	sst s9;
	s0 =	simm.s32 @!p0 $0x0  }
0x12: {  	s1 =	sld [smem:$0x3F9C];
	s0 =	simm.s32 @p0 $0x1  }
0x13: {  	[smem:$0x3FB7] =	sst s0;
	s0 =	simm.s32 @!p1 $0x0  }
0x14: {  	s2 =	sld [smem:$0x3F9B];
	s0 =	simm.s32 @p1 $0x1  }
0x15: {  	[smem:$0x3FB8] =	sst s0;
	s0 =	simm.s32 @!p2 $0x0  }
0x16: {  	s3 =	sld [smem:$0x3FDB];
	s0 =	simm.s32 @p2 $0x1  }
0x17: {  	s4 =	simm.s32 $0x1BF5;
	[smem:$0x3FBA] =	sst s0  }
0x18: {  	s0 =	sld [smem:$0x3F9D];
	_ =	swait.ge [sflag:s4], $0x0  }
0x19: {  	s7 =	sld [smem:$0x3F9E]  }
0x1a: {  	s8 =	sadd.s32 $0xFFFFE003, lr  }
0x1b: {  	s9 =	sadd.s32 $0xFFFFFEF7, lr;
	s5 =	simm.s32 $0xFFFFFFFF;
	p2 =	slt.u32 s8, $0xFFFFF086  }
0x1c: {  	p1 =	slt.u32 s9, $0xF7A;
	s5 =	simm.s32 @!p2 $0x0  }
0x1d: {  	s5 =	simm.s32 @p1 $0x1;
	p0 =	seq.s32 s7, s2  }
0x1e: {  	s7 =	smul.u32 @!p0 $0xF7A, s2;
	p2 =	seq.s32 @!p0 s5, $0x0  }
0x1f: {  	s9 =	smul.u32 $0xF7A, s1;
	s8 =	simm.s32 @!p0 $0x1BF5;
	p2 =	por !p2, p0  }
0x20: {  	[sflag:s8] =	ssyncset.s32 @!p0 $0xFFFFF086;
	s6 =	sadd.s32 @!p0 s3, s7;
	s7 =	simm.s32 @!p0 $0x108  }
0x21: {  	s3 =	sadd.s32 s3, s9;
	s6 =	sadd.s32 @!p0 $0x88, s6;
	s7 =	simm.s32 @p2 $0x1082  }
0x22: {  	[simem:s7], [sflag:s8] =	dma.local @!p0 [hbm:s6], $0xF7A  }
0x23: {  	s9 =	sor.u32 $0xD0000000, s2;
	s6 =	simm.s32 $0x108;
	_ =	swait.ge @!p0 [sflag:s8], $0x0  }
0x24: {  	s3 =	sadd.s32 $0x88, s3;
	s6 =	simm.s32 @!p1 $0x1082;
	[sflag:s4] =	ssyncset.s32 $0xFFFFF086  }
0x25: {  	[simem:s6], [sflag:s4] =	dma.local [hbm:s3], $0xF7A  }
0x26: {  	[smem:$0x3F9E] =	sst s1;
	(tag) =	ssettag s2;
	_ =	strace s9  }
0x27: {  	s1 =	sld [smem:$0x3FAE]  }
0x28: {  	s2 =	sld [smem:$0x3FAF]  }
0x29: {  	s4 =	sld [smem:$0x3FB1]  }
0x2a: {  	p0 =	seq.s32 s5, $0x0;
	s5 =	sld [smem:$0x3FB2]  }
0x2b: {  	s6 =	sld [smem:$0x3FB3]  }
0x2c: {  	s7 =	sld [smem:$0x3FB4]  }
0x2d: {  	s3 =	simm.s32 $0x108;
	s8 =	sld [smem:$0x3FB5]  }
0x2e: {  	s3 =	simm.s32 @!p0 $0x1082;
	s9 =	sld [smem:$0x3FB6]  }
0x2f: {  	lr =	sadd.s32 s0, s3;
	s0 =	sld [smem:$0x3FAD]  }
0x30: {  	s3 =	sld [smem:$0x3FB0]  }
0x31: {  	[smem:$0x3FB9] =	sst s10  }
0x32: {  	s10 =	sld [smem:$0x3FB7];
	_ =	sdelay $0x3  }
0x33: {  	p0 =	seq.s32 s10, $0x1;
	s10 =	sld [smem:$0x3FB9];
	_ =	sdelay $0x3  }
0x34: {  	[smem:$0x3FB9] =	sst s10  }
0x35: {  	s10 =	sld [smem:$0x3FB8];
	_ =	sdelay $0x3  }
0x36: {  	p1 =	seq.s32 s10, $0x1;
	s10 =	sld [smem:$0x3FB9];
	_ =	sdelay $0x3  }
0x37: {  	[smem:$0x3FB9] =	sst s10  }
0x38: {  	s10 =	sld [smem:$0x3FBA]  }
0x39: {  	_ = 	snop;
	(pc) =	sbr.ind lr, $3  }
0x3a: {  	_ = 	snop  }
0x3b: {  	_ = 	snop  }
0x3c: {  	p2 =	seq.s32 s10, $0x1;
	s10 =	sld [smem:$0x3FB9]  }
0x3d: {  	_ =	shalt  }
0x3e: {  	_ =	shalt  }
0x3f: {  	_ =	shalt  }
0x40: {  	_ =	shalt  }
0x41: {  	_ =	shalt  }
0x42: {  	_ =	shalt  }
0x43: {  	_ =	shalt  }
0x44: {  	_ =	shalt  }
0x45: {  	_ =	shalt  }
0x46: {  	_ =	shalt  }
0x47: {  	_ =	shalt  }
0x48: {  	_ =	shalt  }
0x49: {  	_ =	shalt  }
0x4a: {  	_ =	shalt  }
0x4b: {  	_ =	shalt  }
0x4c: {  	_ =	shalt  }
0x4d: {  	_ =	shalt  }
0x4e: {  	_ =	shalt  }
0x4f: {  	_ =	shalt  }
0x50: {  	_ =	shalt  }
0x51: {  	_ =	shalt  }
0x52: {  	_ =	shalt  }
0x53: {  	_ =	shalt  }
0x54: {  	_ =	shalt  }
0x55: {  	_ =	shalt  }
0x56: {  	_ =	shalt  }
0x57: {  	_ =	shalt  }
0x58: {  	_ =	shalt  }
0x59: {  	_ =	shalt  }
0x5a: {  	_ =	shalt  }
0x5b: {  	_ =	shalt  }
0x5c: {  	_ =	shalt  }
0x5d: {  	_ =	shalt  }
0x5e: {  	_ =	shalt  }
0x5f: {  	_ =	shalt  }
0x60: {  	_ =	shalt  }
0x61: {  	_ =	shalt  }
0x62: {  	_ =	shalt  }
0x63: {  	_ =	shalt  }
0x64: {  	_ =	shalt  }
0x65: {  	_ =	shalt  }
0x66: {  	_ =	shalt  }
0x67: {  	_ =	shalt  }
0x68: {  	_ =	shalt  }
0x69: {  	_ =	shalt  }
0x6a: {  	_ =	shalt  }
0x6b: {  	_ =	shalt  }
0x6c: {  	_ =	shalt  }
0x6d: {  	_ =	shalt  }
0x6e: {  	_ =	shalt  }
0x6f: {  	_ =	shalt  }
0x70: {  	_ =	shalt  }
0x71: {  	_ =	shalt  }
0x72: {  	_ =	shalt  }
0x73: {  	_ =	shalt  }
0x74: {  	_ =	shalt  }
0x75: {  	_ =	shalt  }
0x76: {  	_ =	shalt  }
0x77: {  	_ =	shalt  }
0x78: {  	_ =	shalt  }
0x79: {  	_ =	shalt  }
0x7a: {  	_ =	shalt  }
0x7b: {  	_ =	shalt  }
0x7c: {  	_ =	shalt  }
0x7d: {  	_ =	shalt  }
0x7e: {  	_ =	shalt  }
0x7f: {  	_ =	shalt  }
0x80: {  	_ =	shalt  }
0x81: {  	_ =	shalt  }
0x82: {  	_ =	shalt  }
0x83: {  	_ =	shalt  }
0x84: {  	_ =	shalt  }
0x85: {  	_ =	shalt  }
0x86: {  	_ =	shalt  }
0x87: {  	_ =	shalt  }
.Lfunc_end0:
.L_simem_size_0:
called_computation_lowered:
.L_overlay_start_0:
0x88: {  	s2 =	sld [smem:$0x3FD9]  }
0x89: {  	s3 =	sld [smem:$0x3FFE];
	_ =	sdelay $0x1  }
0x8a: {  	s1 =	srdreg.scid  }
0x8b: {  	s0 =	sand.u32 $0x1, s1  }
0x8c: {  	s17 =	sshll.u32 s0, $0xA;
	s2 =	sadd.s32 s3, s2  }
0x8d: {  	s2 =	sadd.s32 s2, s17  }
0x8e: {  	[smem:$0x3FC5] =	sst s2  }
0x8f: {  	_ = 	snop  }
0x90: {  	s2 =	sld [smem:$0x3FC9]  }
0x91: {  	s18 =	sld [smem:$0x3FC7]  }
0x92: {  	s4 =	sld [smem:$0x3FD0];
	(tm) =	ssettm $0x1  }
0x93: {  	s5 =	sld [smem:$0x3FFB];
	_ =	sdelay $0x3  }
0x94: {  	_ =	strace s5  }
0x95: {  	s5 =	sld [smem:$0x3FFC];
	_ =	sdelay $0x3  }
0x96: {  	_ =	strace s5  }
0x97: {  	s5 =	sld [smem:$0x3FFD];
	_ =	sdelay $0x3  }
0x98: {  	_ =	strace s5  }
0x99: {  	_ =	strace $0x8FFFFFFF  }
0x9a: {  	s19 =	sld [smem:$0x3FDB];
	_ =	sdelay $0x1  }
0x9b: {  	s6 =	simm.s32 $_scs_section_size  }
0x9c: {  	s7 =	simm.s32 $_size__tile_overlayer_lowered;
	s8 =	simm.s32 $_tile_overlayer_lowered  }
0x9d: {  	s22 =	simm.s32 $0x1BFF;
	s21 =	sshll.u32 s8, $0x1;
	s5 =	sadd.s32 s6, s19  }
0x9e: {  	s9 =	simm.s32 $0x0;
	s20 =	sshll.u32 s7, $0x1;
	s7 =	sadd.s32 s21, s5  }
0x9f: {  	[timem:s9], [sflag:s22] =	dma.local [hbm:s7], s20  }
0xa0: {  	_ =	swait.ge [sflag:s22], s20  }
0xa1: {  	s6 =	ssub.s32 $0x0, s20;
	[sflag:s22] =	ssyncset.done $0x0  }
0xa2: {  	[sflag:s22] =	ssyncadd.s32 s6;
	_ =	sdelay $0x1  }
0xa3: {  	s23 =	simm.s32 $0x1B8B  }
0xa4: {  	_ =	swait.ge [sflag:s23], $0x1  }
0xa5: {  	[sflag:s23] =	ssyncset.done $0x0  }
0xa6: {  	s25 =	simm.s32 $0x1B8E;
	s24 =	sld [smem:$0x3FFE];
	[sflag:s23] =	ssyncadd.s32 $0xFFFFFFFF  }
0xa7: {  	s26 =	simm.s32 $execute0_lowered;
	[smem:$0x3FD2] =	sst s25  }
0xa8: {  	s7 =	sshll.u32 s26, $0x1;
	_ =	strace $0x80000046;
	[dreg:$0x1] =	wrdreg $0xFFFFFFFF  }
0xa9: {  	s28 =	simm.s32 $_size_execute0_lowered;
	s5 =	sadd.s32 s5, s7;
	[dreg:$0x0] =	wrdreg $0x0  }
0xaa: {  	s7 =	sshll.u32 s28, $0x1;
	[dreg:$0x2] =	wrdreg s5  }
0xab: {  	[dreg:$0x3] =	wrdreg s7  }
0xac: {  	[dreg:$0x4] =	wrdreg $0xC0  }
0xad: {  	_ =	task [dreg:s9], $0x5FFFF  }
0xae: {  	[dreg:$0x1] =	wrdreg $0xFFFFFFFF  }
0xaf: {  	[dreg:$0x0] =	wrdreg $0x60  }
0xb0: {  	[dreg:$0x2] =	wrdreg s2  }
0xb1: {  	[dreg:$0x3] =	wrdreg s24  }
0xb2: {  	[dreg:$0x4] =	wrdreg s18  }
0xb3: {  	[dreg:$0x5] =	wrdreg s4  }
0xb4: {  	[dreg:$0x6] =	wrdreg $0x9  }
0xb5: {  	_ =	task.clear_ibuf [dreg:s9], $0x7FFFF;
	_ =	strace $0x90000046  }
0xb6: {  	s29 =	simm.s32 $0x9;
	_ =	strace $0x80000048  }
0xb7: {  	_ =	swait.ge [sflag:s29], $0x1  }
0xb8: {  	[sflag:s29] =	ssyncadd.s32 $0xFFFFFFFF  }
0xb9: {  	_ =	strace $0x90000048  }
0xba: {  	_ =	sfence  }
0xbb: {  	s30 =	sld [smem:$0x0];
	_ =	sdelay $0x2  }
0xbc: {  	s31 =	sshll.u32 s1, $0xD;
	s1 =	sshrl.u32 s1, $0x2  }
0xbd: {  	s3 =	sand.u32 $0x4000, s31;
	s1 =	sadd.s32 s1, s30  }
0xbe: {  	s0 =	sor.u32 s3, s0;
	s1 =	sshll.u32 s1, $0x11  }
0xbf: {  	s0 =	sor.u32 s1, s0  }
0xc0: {  	s0 =	sadd.s32 $0x8F2B, s0  }
0xc1: {  	[sflag:s0] =	ssyncadd.remote.s32 $0x1  }
0xc2: {  	_ =	sfence.sel $0xFFFF  }
0xc3: {  	[dreg:$0x0] =	wrdreg $0xFFFFFFFF;
	(pc) =	sbr.abs _section_cstart, $3  }
0xc4: {  	[dreg:$0x1] =	wrdreg $0xFFFFFFFF  }
0xc5: {  	_ =	task.clear_ibuf [dreg:s9], $0x2FFFF;
	_ =	strace $0x9FFFFFFF  }
0xc6: {  	(tm) =	ssettm $0x7FFFFFFF  }
0xc7: {  	_ =	shalt  }
tec
execute0_lowered:
.L_overlay_start_1:
0x0: {  	(tag) =	ssettag $0x1  }
0x1: {  	s1 =	rddreg [dreg:$0x0]  }
0x2: {  	s0 =	rddreg [dreg:$0x1]  }
0x3: {  	s3 =	rddreg [dreg:$0x2];
	s2 =	srdreg.scid  }
0x4: {  	s5 =	stileid.u32;
	s4 =	rddreg [dreg:$0x3];
	s29 =	simm.s32 $0x2A00  }
0x5: {  	s31 =	simm.s32 $0x3;
	s30 =	simm.s32 $0x9;
	s11 =	simm.s32 $0x7A00  }
0x6: {  	s12 =	simm.s32 $0x6;
	s2 =	sand.u32 $0x1, s2;
	s6 =	sshll.u32 s5, $0x1  }
0x7: {  	s13 =	simm.s32 $0xA;
	s14 =	simm.s32 $0x0;
	s9 =	sor.u32 s2, s6  }
0x8: {  	s5 =	simm.s32 $0x0;
	s2 =	ssub.s32 $0x2, s2;
	s6 =	smul.u32 $0x6400, s9  }
0x9: {  	[smem:$0x7FF] =	sst s5;
	s23 =	sshrl.u32 s2, $0x1;
	s9 =	smul.u32 $0x64000, s9  }
0xa: {  	s7 =	sadd.s32 $0x400, s0;
	_ =	strace $0x80000047;
	s0 =	ssub.s32 s2, s23  }
0xb: {  	s24 =	sshrl.u32 s6, $0x3;
	s8 =	sor.u32 $0x50, s6;
	s9 =	sadd.s32 s1, s9  }
0xc: {  	s15 =	sor.u32 $0xA0, s6;
	s16 =	sor.u32 $0xF0, s6;
	s17 =	sor.u32 $0x1E0, s6  }
0xd: {  	s18 =	sor.u32 $0x230, s6;
	s0 =	smax.u32 s0, $0x1;
	[dreg:$0x9] =	wrdreg s9  }
0xe: {  	s10 =	sadd.s32 s7, s24;
	s25 =	sshrl.u32 s8, $0x3;
	[dreg:$0xb] =	wrdreg s0  }
0xf: {  	s28 =	sshll.u32 s8, $0x4;
	s2 =	sadd.s32 s7, s25;
	[dreg:$0x5] =	wrdreg s10  }
0x10: {  	s24 =	simm.s32 $0x50;
	s26 =	sadd.s32 $0x14, s10;
	[dreg:$0x6] =	wrdreg s2  }
0x11: {  	s10 =	sadd.s32 $0x1E, s10;
	s25 =	simm.s32 $0x200;
	[dreg:$0x7] =	wrdreg s26  }
0x12: {  	[dreg:$0x8] =	wrdreg s10;
	s2 =	sadd.s32 s1, s28;
	s26 =	simm.s32 $0x5  }
0x13: {  	s10 =	simm.s32 $0x4;
	[dreg:$0xa] =	wrdreg s2;
	s2 =	simm.s32 $0x5200  }
.LBB2_1:
0x14: {  	[dreg:$0xc] =	wrdreg s14  }
0x15: {  	s0 =	rddreg [dreg:$0x5]  }
0x16: {  	[tilespmem:s5], [sflag:$0x1] =	stream.linear.gather [hbm4b:s0+s5], $0x50, $0x38;
	[tilespmem:$0x14200] =	vst v63  }
0x17: {  	s20 =	rddreg [dreg:$0x6];
	s9 =	simm.s32 $0x80  }
0x18: {  	[tilespmem:s9], [sflag:$0x2] =	stream.linear.gather [hbm4b:s20+s5], $0x50, $0x38;
	[tilespmem:$0x14200] =	vst v63  }
0x19: {  	s21 =	rddreg [dreg:$0x7];
	s22 =	simm.s32 $0x100  }
0x1a: {  	[tilespmem:s22], [sflag:$0x3] =	stream.linear.gather [hbm4b:s21+s5], $0x50, $0x38;
	[tilespmem:$0x14200] =	vst v63  }
0x1b: {  	s23 =	rddreg [dreg:$0x8];
	s28 =	simm.s32 $0x180;
	s19 =	simm.s32 $0x1  }
0x1c: {  	[tilespmem:s28], [sflag:$0x4] =	stream.linear.gather [hbm4b:s23+s5], $0x50, $0x38;
	[tilespmem:$0x14200] =	vst v63  }
0x1d: {  	_ =	swait.ge [sflag:s19], $0x50  }
0x1e: {  	[sflag:s19] =	ssyncset.done $0x0  }
0x1f: {  	[sflag:s19] =	ssyncadd.s32 $0xFFFFFFB0  }
0x20: {  	v0 =	vld [tilespmem:$0x0]  }
0x21: {  	v1 =	vld [tilespmem:$0x10]  }
0x22: {  	v2 =	vld [tilespmem:$0x20]  }
0x23: {  	v3 =	vld [tilespmem:$0x30]  }
0x24: {  	v4 =	vld [tilespmem:$0x40]  }
0x25: {  	vm0 =	vgt.s32 v0, $0x0  }
0x26: {  	vm7 =	vgt.s32 v1, $0x0;
	v0 =	vnsel vm0, $0x0, v0  }
0x27: {  	vm8 =	vgt.s32 v2, $0x0;
	v1 =	vnsel vm7, $0x0, v1;
	v0 =	vmin.u32 v0, $0x1869F  }
0x28: {  	vm9 =	vgt.s32 v3, $0x0;
	v48 =	vnsel vm8, $0x0, v2;
	v47 =	vmin.u32 v1, $0x1869F;
	[tilespmem:$0x0] =	vst v0  }
0x29: {  	vm10 =	vgt.s32 v4, $0x0;
	v50 =	vnsel vm9, $0x0, v3;
	v49 =	vmin.u32 v48, $0x1869F;
	[tilespmem:$0x10] =	vst v47  }
0x2a: {  	v52 =	vnsel vm10, $0x0, v4;
	v51 =	vmin.u32 v50, $0x1869F;
	[tilespmem:$0x20] =	vst v49  }
0x2b: {  	v53 =	vmin.u32 v52, $0x1869F;
	[tilespmem:$0x30] =	vst v51  }
0x2c: {  	[tilespmem:$0x40] =	vst v53  }
0x2d: {  	[tilespmem:s25], [sflag:$0x5] =	stream.indirect.gather [hbm4b:s3+s24], $0x80, s5, s24, $0xb8;
	[tilespmem:$0x14200] =	vst v63  }
0x2e: {  	s21 =	simm.s32 $0xA200;
	s22 =	simm.s32 $0x2;
	s20 =	rddreg [dreg:$0x9]  }
0x2f: {  	[tilespmem:s21], [sflag:$0x9] =	stream.linear.gather [hbm4b:s20+s5], $0x2800, $0x38;
	[tilespmem:$0x14200] =	vst v63  }
0x30: {  	_ =	swait.ge [sflag:s22], $0x50  }
0x31: {  	[sflag:s22] =	ssyncset.done $0x0  }
0x32: {  	[sflag:s22] =	ssyncadd.s32 $0xFFFFFFB0  }
0x33: {  	v54 =	vld [tilespmem:$0x80]  }
0x34: {  	v55 =	vld [tilespmem:$0x90]  }
0x35: {  	v56 =	vld [tilespmem:$0xA0]  }
0x36: {  	v57 =	vld [tilespmem:$0xB0]  }
0x37: {  	v58 =	vld [tilespmem:$0xC0]  }
0x38: {  	vm11 =	vgt.s32 v54, $0x0  }
0x39: {  	vm12 =	vgt.s32 v55, $0x0;
	v0 =	vnsel vm11, $0x0, v54  }
0x3a: {  	vm13 =	vgt.s32 v56, $0x0;
	v1 =	vnsel vm12, $0x0, v55;
	v0 =	vmin.u32 v0, $0x1869F  }
0x3b: {  	vm14 =	vgt.s32 v57, $0x0;
	v60 =	vnsel vm13, $0x0, v56;
	v59 =	vmin.u32 v1, $0x1869F;
	[tilespmem:$0x80] =	vst v0  }
0x3c: {  	vm15 =	vgt.s32 v58, $0x0;
	v62 =	vnsel vm14, $0x0, v57;
	v61 =	vmin.u32 v60, $0x1869F;
	[tilespmem:$0x90] =	vst v59  }
0x3d: {  	v63 =	vnsel vm15, $0x0, v58;
	v1 =	vmin.u32 v62, $0x1869F;
	[tilespmem:$0xA0] =	vst v61  }
0x3e: {  	[tilespmem:$0xB0] =	vst v1;
	v0 =	vmin.u32 v63, $0x1869F  }
0x3f: {  	[tilespmem:$0xC0] =	vst v0  }
0x40: {  	[tilespmem:s29], [sflag:$0x6] =	stream.indirect.gather [hbm4b:s3+s24], $0x80, s9, s24, $0xb8;
	[tilespmem:$0x14200] =	vst v63  }
0x41: {  	s14 =	simm.s32 $0x0;
	s28 =	simm.s32 $0xCA00;
	s23 =	rddreg [dreg:$0xa]  }
0x42: {  	[tilespmem:s28], [sflag:$0xA] =	stream.linear.gather [hbm4b:s23+s5], $0x2800, $0x38;
	[tilespmem:$0x14200] =	vst v63  }
.LBB2_2:
0x43: {  	p1 =	seq.s32 s14, $0x0  }
0x44: {  	s0 =	simm.s32 @!p1 $0xF  }
0x45: {  	_ =	swait.ge @!p1 [sflag:s0], $0x2800  }
0x46: {  	[sflag:s0] =	ssyncset.done @!p1 $0x0  }
0x47: {  	[sflag:s0] =	ssyncadd.s32 @!p1 $0xFFFFD800  }
0x48: {  	_ =	swait.ge [sflag:s31], $0x50  }
0x49: {  	[sflag:s31] =	ssyncset.done $0x0  }
0x4a: {  	[sflag:s31] =	ssyncadd.s32 $0xFFFFFFB0  }
0x4b: {  	v0 =	vld [tilespmem:$0x100]  }
0x4c: {  	v1 =	vld [tilespmem:$0x110]  }
0x4d: {  	v2 =	vld [tilespmem:$0x120]  }
0x4e: {  	v3 =	vld [tilespmem:$0x130]  }
0x4f: {  	v4 =	vld [tilespmem:$0x140]  }
0x50: {  	vm0 =	vgt.s32 v0, $0x0  }
0x51: {  	vm12 =	vgt.s32 v1, $0x0;
	v0 =	vnsel vm0, $0x0, v0  }
0x52: {  	vm13 =	vgt.s32 v2, $0x0;
	v1 =	vnsel vm12, $0x0, v1;
	v0 =	vmin.u32 v0, $0x1869F  }
0x53: {  	vm14 =	vgt.s32 v3, $0x0;
	v60 =	vnsel vm13, $0x0, v2;
	v59 =	vmin.u32 v1, $0x1869F;
	[tilespmem:$0x100] =	vst v0  }
0x54: {  	s19 =	smul.u32 $0x140, s14;
	vm15 =	vgt.s32 v4, $0x0;
	v62 =	vnsel vm14, $0x0, v3;
	v61 =	vmin.u32 v60, $0x1869F;
	[tilespmem:$0x110] =	vst v59  }
0x55: {  	v63 =	vnsel vm15, $0x0, v4;
	v1 =	vmin.u32 v62, $0x1869F;
	[tilespmem:$0x120] =	vst v61  }
0x56: {  	s23 =	sadd.s32 s19, s15;
	[tilespmem:$0x130] =	vst v1;
	v0 =	vmin.u32 v63, $0x1869F  }
0x57: {  	s22 =	simm.s32 $0x100;
	s23 =	sshll.u32 s23, $0x4;
	[tilespmem:$0x140] =	vst v0  }
0x58: {  	[tilespmem:s2], [sflag:$0x7] =	stream.indirect.gather [hbm4b:s3+s24], $0x80, s22, s24, $0xb8;
	[tilespmem:$0x14200] =	vst v63  }
0x59: {  	s28 =	sshll.u32 s14, $0x2;
	s9 =	simm.s32 $0xF200;
	s0 =	sadd.s32 s1, s23  }
0x5a: {  	[tilespmem:s9], [sflag:$0xB] =	stream.linear.gather [hbm4b:s0+s5], $0x2800, $0x38;
	[tilespmem:$0x14200] =	vst v63  }
0x5b: {  	p0 =	seq.s32 s14, $0x4F;
	s0 =	sadd.s32 $0x4, s28;
	_ =	swait.ge [sflag:s26], $0x2800  }
0x5c: {  	s0 =	smul.u32 @!p0 $0x50, s0;
	[sflag:s26] =	ssyncset.done $0x0  }
0x5d: {  	[sflag:s26] =	ssyncadd.s32 $0xFFFFD800  }
0x5e: {  	s0 =	sadd.s32 @!p0 s6, s0;
	_ =	swait.ge [sflag:s30], $0x2800  }
0x5f: {  	s9 =	sshrl.u32 @!p0 s0, $0x3;
	[sflag:s30] =	ssyncset.done $0x0  }
0x60: {  	s20 =	simm.s32 @!p0 $0x0;
	s9 =	sadd.s32 @!p0 s7, s9;
	[sflag:s30] =	ssyncadd.s32 $0xFFFFD800  }
0x61: {  	[tilespmem:s20], [sflag:$0x1] =	stream.linear.gather @!p0 [hbm4b:s9+s20], $0x50, $0x38;
	[tilespmem:$0x14200] =	vst v63  }
0x62: {  	s9 =	simm.s32 $0x0;
	s20 =	simm.s32 $0x200  }
.LBB2_3:
0x63: {  	p2 =	sne.s32 s20, $0x9E00;
	v0 =	vld [tilespmem:s9+$0xA270]  }
0x64: {  	v1 =	vld [tilespmem:s9+$0xA200]  }
0x65: {  	v2 =	vld [tilespmem:s9+$0xA210]  }
0x66: {  	v3 =	vld [tilespmem:s9+$0xA220]  }
0x67: {  	v4 =	vld [tilespmem:s9+$0xA230]  }
0x68: {  	[tilespmem:s9+$0x270] =	vst.add.f32.msk $0xffff, v0  }
0x69: {  	v0 =	vld [tilespmem:s9+$0xA240]  }
0x6a: {  	v5 =	vld [tilespmem:s9+$0xA250]  }
0x6b: {  	v6 =	vld [tilespmem:s9+$0xA260]  }
0x6c: {  	[tilespmem:s9+$0x200] =	vst.add.f32.msk $0xffff, v1  }
0x6d: {  	[tilespmem:s9+$0x210] =	vst.add.f32.msk $0xffff, v2  }
.Ltmp0:
0x6e: {  	[tilespmem:s9+$0x220] =	vst.add.f32.msk $0xffff, v3;
	(pc) =	sbr.rel @p2 .LBB2_3-.Ltmp0, $4  }
0x6f: {  	[tilespmem:s9+$0x230] =	vst.add.f32.msk $0xffff, v4  }
0x70: {  	[tilespmem:s9+$0x240] =	vst.add.f32.msk $0xffff, v0  }
0x71: {  	[tilespmem:s9+$0x250] =	vst.add.f32.msk $0xffff, v5  }
0x72: {  	[tilespmem:s9+$0x260] =	vst.add.f32.msk $0xffff, v6;
	s9 =	sshra.s32 s20, $0x2;
	s20 =	sadd.s32 $0x200, s20  }
0x73: {  	v0 =	vld [tilespmem:s9+$0xA270]  }
0x74: {  	v1 =	vld [tilespmem:s9+$0xA200]  }
0x75: {  	v2 =	vld [tilespmem:s9+$0xA210]  }
0x76: {  	v3 =	vld [tilespmem:s9+$0xA220]  }
0x77: {  	v4 =	vld [tilespmem:s9+$0xA230]  }
0x78: {  	v51 =	vld [tilespmem:s9+$0xA240]  }
0x79: {  	v5 =	vld [tilespmem:s9+$0xA250]  }
0x7a: {  	v6 =	vld [tilespmem:s9+$0xA260]  }
0x7b: {  	[tilespmem:s9+$0x270] =	vst.add.f32.msk $0xffff, v0  }
0x7c: {  	[tilespmem:s9+$0x200] =	vst.add.f32.msk $0xffff, v1  }
0x7d: {  	[tilespmem:s9+$0x210] =	vst.add.f32.msk $0xffff, v2  }
0x7e: {  	[tilespmem:s9+$0x220] =	vst.add.f32.msk $0xffff, v3  }
0x7f: {  	[tilespmem:s9+$0x230] =	vst.add.f32.msk $0xffff, v4  }
0x80: {  	s20 =	sadd.s32 s6, s19;
	[tilespmem:s9+$0x240] =	vst.add.f32.msk $0xffff, v51  }
0x81: {  	s20 =	sshll.u32 s20, $0x4;
	[tilespmem:s9+$0x250] =	vst.add.f32.msk $0xffff, v5  }
0x82: {  	s22 =	sadd.s32 s4, s20;
	[tilespmem:s9+$0x260] =	vst.add.f32.msk $0xffff, v6;
	s9 =	simm.s32 @!p1 $0x10  }
0x83: {  	[hbm4b:s22+s5] =	stream.linear.scatter [tilespmem:s25], [sflag:$0xD], $0x2800, $0x38;
	[tilespmem:$0x14200] =	vst v63  }
0x84: {  	_ =	swait.ge @!p1 [sflag:s9], $0x2800  }
0x85: {  	[sflag:s9] =	ssyncset.done @!p1 $0x0  }
0x86: {  	[sflag:s9] =	ssyncadd.s32 @!p1 $0xFFFFD800  }
0x87: {  	_ =	swait.ge [sflag:s10], $0x50  }
0x88: {  	[sflag:s10] =	ssyncset.done $0x0  }
0x89: {  	[sflag:s10] =	ssyncadd.s32 $0xFFFFFFB0  }
0x8a: {  	v52 =	vld [tilespmem:$0x180]  }
0x8b: {  	v53 =	vld [tilespmem:$0x190]  }
0x8c: {  	v54 =	vld [tilespmem:$0x1A0]  }
0x8d: {  	v55 =	vld [tilespmem:$0x1B0]  }
0x8e: {  	v56 =	vld [tilespmem:$0x1C0]  }
0x8f: {  	vm0 =	vgt.s32 v52, $0x0  }
0x90: {  	vm12 =	vgt.s32 v53, $0x0;
	v0 =	vnsel vm0, $0x0, v52  }
0x91: {  	vm13 =	vgt.s32 v54, $0x0;
	v1 =	vnsel vm12, $0x0, v53;
	v0 =	vmin.u32 v0, $0x1869F  }
0x92: {  	vm14 =	vgt.s32 v55, $0x0;
	v58 =	vnsel vm13, $0x0, v54;
	v57 =	vmin.u32 v1, $0x1869F;
	[tilespmem:$0x180] =	vst v0  }
0x93: {  	vm15 =	vgt.s32 v56, $0x0;
	v60 =	vnsel vm14, $0x0, v55;
	v59 =	vmin.u32 v58, $0x1869F;
	[tilespmem:$0x190] =	vst v57  }
0x94: {  	v62 =	vnsel vm15, $0x0, v56;
	v61 =	vmin.u32 v60, $0x1869F;
	[tilespmem:$0x1A0] =	vst v59  }
0x95: {  	s21 =	sadd.s32 s19, s16;
	v63 =	vmin.u32 v62, $0x1869F;
	[tilespmem:$0x1B0] =	vst v61  }
0x96: {  	s20 =	simm.s32 $0x180;
	s9 =	sshll.u32 s21, $0x4;
	[tilespmem:$0x1C0] =	vst v63  }
0x97: {  	[tilespmem:s11], [sflag:$0x8] =	stream.indirect.gather [hbm4b:s3+s24], $0x80, s20, s24, $0xb8;
	[tilespmem:$0x14200] =	vst v63  }
0x98: {  	s21 =	simm.s32 $0x11A00;
	s22 =	sadd.s32 s1, s9  }
0x99: {  	[tilespmem:s21], [sflag:$0xC] =	stream.linear.gather [hbm4b:s22+s5], $0x2800, $0x38;
	[tilespmem:$0x14200] =	vst v63  }
0x9a: {  	s20 =	sadd.s32 $0x5, s28;
	_ =	swait.ge [sflag:s12], $0x2800  }
0x9b: {  	s20 =	smul.u32 @!p0 $0x50, s20;
	[sflag:s12] =	ssyncset.done $0x0  }
0x9c: {  	[sflag:s12] =	ssyncadd.s32 $0xFFFFD800  }
0x9d: {  	s28 =	sadd.s32 @!p0 s6, s20;
	_ =	swait.ge [sflag:s13], $0x2800  }
0x9e: {  	s21 =	simm.s32 @!p0 $0x0;
	s20 =	sshrl.u32 @!p0 s28, $0x3;
	[sflag:s13] =	ssyncset.done $0x0  }
0x9f: {  	s22 =	simm.s32 @!p0 $0x80;
	s20 =	sadd.s32 @!p0 s7, s20;
	[sflag:s13] =	ssyncadd.s32 $0xFFFFD800  }
0xa0: {  	[tilespmem:s22], [sflag:$0x2] =	stream.linear.gather @!p0 [hbm4b:s20+s21], $0x50, $0x38;
	[tilespmem:$0x14200] =	vst v63  }
0xa1: {  	s20 =	simm.s32 $0x0;
	s21 =	simm.s32 $0x200  }
.LBB2_5:
0xa2: {  	p1 =	sne.s32 s21, $0x9E00;
	v0 =	vld [tilespmem:s20+$0xCA70]  }
0xa3: {  	v1 =	vld [tilespmem:s20+$0xCA00]  }
0xa4: {  	v2 =	vld [tilespmem:s20+$0xCA10]  }
0xa5: {  	v3 =	vld [tilespmem:s20+$0xCA20]  }
0xa6: {  	v4 =	vld [tilespmem:s20+$0xCA30]  }
0xa7: {  	[tilespmem:s20+$0x2A70] =	vst.add.f32.msk $0xffff, v0  }
0xa8: {  	v0 =	vld [tilespmem:s20+$0xCA40]  }
0xa9: {  	v5 =	vld [tilespmem:s20+$0xCA50]  }
0xaa: {  	v6 =	vld [tilespmem:s20+$0xCA60]  }
0xab: {  	[tilespmem:s20+$0x2A00] =	vst.add.f32.msk $0xffff, v1  }
0xac: {  	[tilespmem:s20+$0x2A10] =	vst.add.f32.msk $0xffff, v2  }
.Ltmp1:
0xad: {  	[tilespmem:s20+$0x2A20] =	vst.add.f32.msk $0xffff, v3;
	(pc) =	sbr.rel @p1 .LBB2_5-.Ltmp1, $4  }
0xae: {  	[tilespmem:s20+$0x2A30] =	vst.add.f32.msk $0xffff, v4  }
0xaf: {  	[tilespmem:s20+$0x2A40] =	vst.add.f32.msk $0xffff, v0  }
0xb0: {  	[tilespmem:s20+$0x2A50] =	vst.add.f32.msk $0xffff, v5  }
0xb1: {  	[tilespmem:s20+$0x2A60] =	vst.add.f32.msk $0xffff, v6;
	s20 =	sshra.s32 s21, $0x2;
	s21 =	sadd.s32 $0x200, s21  }
0xb2: {  	v0 =	vld [tilespmem:s20+$0xCA70]  }
0xb3: {  	v1 =	vld [tilespmem:s20+$0xCA00]  }
0xb4: {  	v2 =	vld [tilespmem:s20+$0xCA10]  }
0xb5: {  	v3 =	vld [tilespmem:s20+$0xCA20]  }
0xb6: {  	v4 =	vld [tilespmem:s20+$0xCA30]  }
0xb7: {  	v63 =	vld [tilespmem:s20+$0xCA40]  }
0xb8: {  	v5 =	vld [tilespmem:s20+$0xCA50]  }
0xb9: {  	v6 =	vld [tilespmem:s20+$0xCA60]  }
0xba: {  	[tilespmem:s20+$0x2A70] =	vst.add.f32.msk $0xffff, v0  }
0xbb: {  	[tilespmem:s20+$0x2A00] =	vst.add.f32.msk $0xffff, v1  }
0xbc: {  	[tilespmem:s20+$0x2A10] =	vst.add.f32.msk $0xffff, v2  }
0xbd: {  	[tilespmem:s20+$0x2A20] =	vst.add.f32.msk $0xffff, v3  }
0xbe: {  	[tilespmem:s20+$0x2A30] =	vst.add.f32.msk $0xffff, v4  }
0xbf: {  	s21 =	sadd.s32 s19, s8;
	[tilespmem:s20+$0x2A40] =	vst.add.f32.msk $0xffff, v63  }
0xc0: {  	s21 =	sshll.u32 s21, $0x4;
	[tilespmem:s20+$0x2A50] =	vst.add.f32.msk $0xffff, v5  }
0xc1: {  	s22 =	sadd.s32 s4, s21;
	[tilespmem:s20+$0x2A60] =	vst.add.f32.msk $0xffff, v6;
	s20 =	simm.s32 @p0 $0x7  }
0xc2: {  	[hbm4b:s22+s5] =	stream.linear.scatter [tilespmem:s29], [sflag:$0xE], $0x2800, $0x38;
	[tilespmem:$0x14200] =	vst v63  }
0xc3: {  	_ =	swait.ge @p0 [sflag:s20], $0x2800  }
0xc4: {  	[sflag:s20] =	ssyncset.done @p0 $0x0  }
0xc5: {  	[sflag:s20] =	ssyncadd.s32 @p0 $0xFFFFD800;
	s20 =	simm.s32 @p0 $0xB  }
0xc6: {  	_ =	swait.ge @p0 [sflag:s20], $0x2800  }
0xc7: {  	[sflag:s20] =	ssyncset.done @p0 $0x0  }
0xc8: {  	[sflag:s20] =	ssyncadd.s32 @p0 $0xFFFFD800;
	s20 =	simm.s32 @!p0 $0xD  }
0xc9: {  	_ =	swait.ge @!p0 [sflag:s20], $0x2800  }
0xca: {  	[sflag:s20] =	ssyncset.done @!p0 $0x0  }
0xcb: {  	[sflag:s20] =	ssyncadd.s32 @!p0 $0xFFFFD800;
	s20 =	simm.s32 @!p0 $0x1  }
0xcc: {  	_ =	swait.ge @!p0 [sflag:s20], $0x50  }
0xcd: {  	[sflag:s20] =	ssyncset.done @!p0 $0x0  }
0xce: {  	[sflag:s20] =	ssyncadd.s32 @!p0 $0xFFFFFFB0  }
0xcf: {  	v0 =	vld @!p0 [tilespmem:$0x0]  }
0xd0: {  	v1 =	vld @!p0 [tilespmem:$0x10]  }
0xd1: {  	v2 =	vld @!p0 [tilespmem:$0x20]  }
0xd2: {  	v3 =	vld @!p0 [tilespmem:$0x30]  }
0xd3: {  	v4 =	vld @!p0 [tilespmem:$0x40]  }
0xd4: {  	vm0 =	vgt.s32 @!p0 v0, $0x0  }
0xd5: {  	v0 =	vnsel @!p0 vm0, $0x0, v0;
	vm0 =	vgt.s32 @!p0 v1, $0x0  }
0xd6: {  	v0 =	vmin.u32 @!p0 v0, $0x1869F;
	v1 =	vnsel @!p0 vm0, $0x0, v1;
	vm0 =	vgt.s32 @!p0 v2, $0x0  }
0xd7: {  	[tilespmem:$0x0] =	vst @!p0 v0;
	v0 =	vmin.u32 @!p0 v1, $0x1869F;
	v1 =	vnsel @!p0 vm0, $0x0, v2;
	vm0 =	vgt.s32 @!p0 v3, $0x0  }
0xd8: {  	[tilespmem:$0x10] =	vst @!p0 v0;
	v0 =	vmin.u32 @!p0 v1, $0x1869F;
	v1 =	vnsel @!p0 vm0, $0x0, v3;
	vm0 =	vgt.s32 @!p0 v4, $0x0  }
0xd9: {  	[tilespmem:$0x20] =	vst @!p0 v0;
	v0 =	vmin.u32 @!p0 v1, $0x1869F;
	v1 =	vnsel @!p0 vm0, $0x0, v4  }
0xda: {  	s0 =	sshll.u32 @!p0 s0, $0x4;
	[tilespmem:$0x30] =	vst @!p0 v0;
	v0 =	vmin.u32 @!p0 v1, $0x1869F  }
0xdb: {  	s21 =	simm.s32 @!p0 $0x0;
	s22 =	simm.s32 @!p0 $0x200;
	s20 =	simm.s32 @!p0 $0x50;
	[tilespmem:$0x40] =	vst @!p0 v0  }
0xdc: {  	[tilespmem:s22], [sflag:$0x5] =	stream.indirect.gather @!p0 [hbm4b:s3+s20], $0x80, s21, s20, $0xb8;
	[tilespmem:$0x14200] =	vst v63  }
0xdd: {  	s0 =	sadd.s32 @!p0 s1, s0;
	s20 =	simm.s32 @!p0 $0xA200  }
0xde: {  	[tilespmem:s20], [sflag:$0x9] =	stream.linear.gather @!p0 [hbm4b:s0+s21], $0x2800, $0x38;
	[tilespmem:$0x14200] =	vst v63  }
0xdf: {  	s0 =	simm.s32 @!p0 $0x7  }
0xe0: {  	_ =	swait.ge @!p0 [sflag:s0], $0x2800  }
0xe1: {  	[sflag:s0] =	ssyncset.done @!p0 $0x0  }
0xe2: {  	[sflag:s0] =	ssyncadd.s32 @!p0 $0xFFFFD800;
	s0 =	simm.s32 @!p0 $0xB  }
0xe3: {  	s20 =	sadd.s32 @!p0 s19, s17;
	_ =	swait.ge @!p0 [sflag:s0], $0x2800  }
0xe4: {  	s20 =	sshrl.u32 @!p0 s20, $0x3;
	[sflag:s0] =	ssyncset.done @!p0 $0x0  }
0xe5: {  	[sflag:s0] =	ssyncadd.s32 @!p0 $0xFFFFD800;
	s0 =	sadd.s32 @!p0 s7, s20;
	s20 =	simm.s32 @!p0 $0x100  }
0xe6: {  	[tilespmem:s20], [sflag:$0x3] =	stream.linear.gather @!p0 [hbm4b:s0+s21], $0x50, $0x38;
	[tilespmem:$0x14200] =	vst v63  }
0xe7: {  	s0 =	simm.s32 $0x0;
	s20 =	simm.s32 $0x200  }
.LBB2_7:
0xe8: {  	p1 =	sne.s32 s20, $0x9E00;
	v0 =	vld [tilespmem:s0+$0xF270]  }
0xe9: {  	v1 =	vld [tilespmem:s0+$0xF200]  }
0xea: {  	v2 =	vld [tilespmem:s0+$0xF210]  }
0xeb: {  	v3 =	vld [tilespmem:s0+$0xF220]  }
0xec: {  	v4 =	vld [tilespmem:s0+$0xF230]  }
0xed: {  	[tilespmem:s0+$0x5270] =	vst.add.f32.msk $0xffff, v0  }
0xee: {  	v0 =	vld [tilespmem:s0+$0xF240]  }
0xef: {  	v5 =	vld [tilespmem:s0+$0xF250]  }
0xf0: {  	v6 =	vld [tilespmem:s0+$0xF260]  }
0xf1: {  	[tilespmem:s0+$0x5200] =	vst.add.f32.msk $0xffff, v1  }
0xf2: {  	[tilespmem:s0+$0x5210] =	vst.add.f32.msk $0xffff, v2  }
.Ltmp2:
0xf3: {  	[tilespmem:s0+$0x5220] =	vst.add.f32.msk $0xffff, v3;
	(pc) =	sbr.rel @p1 .LBB2_7-.Ltmp2, $4  }
0xf4: {  	[tilespmem:s0+$0x5230] =	vst.add.f32.msk $0xffff, v4  }
0xf5: {  	[tilespmem:s0+$0x5240] =	vst.add.f32.msk $0xffff, v0  }
0xf6: {  	[tilespmem:s0+$0x5250] =	vst.add.f32.msk $0xffff, v5  }
0xf7: {  	[tilespmem:s0+$0x5260] =	vst.add.f32.msk $0xffff, v6;
	s0 =	sshra.s32 s20, $0x2;
	s20 =	sadd.s32 $0x200, s20  }
0xf8: {  	v0 =	vld [tilespmem:s0+$0xF270]  }
0xf9: {  	v1 =	vld [tilespmem:s0+$0xF200]  }
0xfa: {  	v2 =	vld [tilespmem:s0+$0xF210]  }
0xfb: {  	v3 =	vld [tilespmem:s0+$0xF220]  }
0xfc: {  	v4 =	vld [tilespmem:s0+$0xF230]  }
0xfd: {  	v63 =	vld [tilespmem:s0+$0xF240]  }
0xfe: {  	v5 =	vld [tilespmem:s0+$0xF250]  }
0xff: {  	v6 =	vld [tilespmem:s0+$0xF260]  }
0x100: {  	[tilespmem:s0+$0x5270] =	vst.add.f32.msk $0xffff, v0  }
0x101: {  	[tilespmem:s0+$0x5200] =	vst.add.f32.msk $0xffff, v1  }
0x102: {  	[tilespmem:s0+$0x5210] =	vst.add.f32.msk $0xffff, v2  }
0x103: {  	[tilespmem:s0+$0x5220] =	vst.add.f32.msk $0xffff, v3  }
0x104: {  	[tilespmem:s0+$0x5230] =	vst.add.f32.msk $0xffff, v4  }
0x105: {  	[tilespmem:s0+$0x5240] =	vst.add.f32.msk $0xffff, v63  }
0x106: {  	[tilespmem:s0+$0x5250] =	vst.add.f32.msk $0xffff, v5  }
0x107: {  	s23 =	sadd.s32 s4, s23;
	[tilespmem:s0+$0x5260] =	vst.add.f32.msk $0xffff, v6;
	s0 =	simm.s32 @p0 $0x8  }
0x108: {  	[hbm4b:s23+s5] =	stream.linear.scatter [tilespmem:s2], [sflag:$0xF], $0x2800, $0x38;
	[tilespmem:$0x14200] =	vst v63  }
0x109: {  	_ =	swait.ge @p0 [sflag:s0], $0x2800  }
0x10a: {  	[sflag:s0] =	ssyncset.done @p0 $0x0  }
0x10b: {  	[sflag:s0] =	ssyncadd.s32 @p0 $0xFFFFD800;
	s0 =	simm.s32 @p0 $0xC  }
0x10c: {  	_ =	swait.ge @p0 [sflag:s0], $0x2800  }
0x10d: {  	[sflag:s0] =	ssyncset.done @p0 $0x0  }
0x10e: {  	[sflag:s0] =	ssyncadd.s32 @p0 $0xFFFFD800;
	s0 =	simm.s32 @!p0 $0xE  }
0x10f: {  	_ =	swait.ge @!p0 [sflag:s0], $0x2800  }
0x110: {  	[sflag:s0] =	ssyncset.done @!p0 $0x0  }
0x111: {  	[sflag:s0] =	ssyncadd.s32 @!p0 $0xFFFFD800;
	s0 =	simm.s32 @!p0 $0x2  }
0x112: {  	_ =	swait.ge @!p0 [sflag:s0], $0x50  }
0x113: {  	[sflag:s0] =	ssyncset.done @!p0 $0x0  }
0x114: {  	[sflag:s0] =	ssyncadd.s32 @!p0 $0xFFFFFFB0  }
0x115: {  	v0 =	vld @!p0 [tilespmem:$0x80]  }
0x116: {  	v1 =	vld @!p0 [tilespmem:$0x90]  }
0x117: {  	v2 =	vld @!p0 [tilespmem:$0xA0]  }
0x118: {  	v3 =	vld @!p0 [tilespmem:$0xB0]  }
0x119: {  	v4 =	vld @!p0 [tilespmem:$0xC0]  }
0x11a: {  	vm0 =	vgt.s32 @!p0 v0, $0x0  }
0x11b: {  	v0 =	vnsel @!p0 vm0, $0x0, v0;
	vm0 =	vgt.s32 @!p0 v1, $0x0  }
0x11c: {  	v0 =	vmin.u32 @!p0 v0, $0x1869F;
	v1 =	vnsel @!p0 vm0, $0x0, v1;
	vm0 =	vgt.s32 @!p0 v2, $0x0  }
0x11d: {  	[tilespmem:$0x80] =	vst @!p0 v0;
	v0 =	vmin.u32 @!p0 v1, $0x1869F;
	v1 =	vnsel @!p0 vm0, $0x0, v2;
	vm0 =	vgt.s32 @!p0 v3, $0x0  }
0x11e: {  	[tilespmem:$0x90] =	vst @!p0 v0;
	v0 =	vmin.u32 @!p0 v1, $0x1869F;
	v1 =	vnsel @!p0 vm0, $0x0, v3;
	vm0 =	vgt.s32 @!p0 v4, $0x0  }
0x11f: {  	[tilespmem:$0xA0] =	vst @!p0 v0;
	v0 =	vmin.u32 @!p0 v1, $0x1869F;
	v1 =	vnsel @!p0 vm0, $0x0, v4  }
0x120: {  	[tilespmem:$0xB0] =	vst @!p0 v0;
	v0 =	vmin.u32 @!p0 v1, $0x1869F  }
0x121: {  	s20 =	simm.s32 @!p0 $0x80;
	s21 =	simm.s32 @!p0 $0x2A00;
	s0 =	simm.s32 @!p0 $0x50;
	[tilespmem:$0xC0] =	vst @!p0 v0  }
0x122: {  	[tilespmem:s21], [sflag:$0x6] =	stream.indirect.gather @!p0 [hbm4b:s3+s0], $0x80, s20, s0, $0xb8;
	[tilespmem:$0x14200] =	vst v63  }
0x123: {  	s0 =	sshll.u32 @!p0 s28, $0x4  }
0x124: {  	s20 =	simm.s32 @!p0 $0x0;
	s21 =	simm.s32 @!p0 $0xCA00;
	s0 =	sadd.s32 @!p0 s1, s0  }
0x125: {  	[tilespmem:s21], [sflag:$0xA] =	stream.linear.gather @!p0 [hbm4b:s0+s20], $0x2800, $0x38;
	[tilespmem:$0x14200] =	vst v63  }
0x126: {  	s0 =	simm.s32 @!p0 $0x8  }
0x127: {  	_ =	swait.ge @!p0 [sflag:s0], $0x2800  }
0x128: {  	[sflag:s0] =	ssyncset.done @!p0 $0x0  }
0x129: {  	[sflag:s0] =	ssyncadd.s32 @!p0 $0xFFFFD800;
	s0 =	simm.s32 @!p0 $0xC  }
0x12a: {  	s19 =	sadd.s32 @!p0 s19, s18;
	_ =	swait.ge @!p0 [sflag:s0], $0x2800  }
0x12b: {  	s19 =	sshrl.u32 @!p0 s19, $0x3;
	[sflag:s0] =	ssyncset.done @!p0 $0x0  }
0x12c: {  	[sflag:s0] =	ssyncadd.s32 @!p0 $0xFFFFD800;
	s0 =	sadd.s32 @!p0 s7, s19;
	s19 =	simm.s32 @!p0 $0x180  }
0x12d: {  	[tilespmem:s19], [sflag:$0x4] =	stream.linear.gather @!p0 [hbm4b:s0+s20], $0x50, $0x38;
	[tilespmem:$0x14200] =	vst v63  }
0x12e: {  	s0 =	simm.s32 $0x0;
	s19 =	simm.s32 $0x200  }
.LBB2_9:
0x12f: {  	p0 =	sne.s32 s19, $0x9E00;
	v0 =	vld [tilespmem:s0+$0x11A70]  }
0x130: {  	v1 =	vld [tilespmem:s0+$0x11A00]  }
0x131: {  	v2 =	vld [tilespmem:s0+$0x11A10]  }
0x132: {  	v3 =	vld [tilespmem:s0+$0x11A20]  }
0x133: {  	v4 =	vld [tilespmem:s0+$0x11A30]  }
0x134: {  	[tilespmem:s0+$0x7A70] =	vst.add.f32.msk $0xffff, v0  }
0x135: {  	v0 =	vld [tilespmem:s0+$0x11A40]  }
0x136: {  	v5 =	vld [tilespmem:s0+$0x11A50]  }
0x137: {  	v6 =	vld [tilespmem:s0+$0x11A60]  }
0x138: {  	[tilespmem:s0+$0x7A00] =	vst.add.f32.msk $0xffff, v1  }
0x139: {  	[tilespmem:s0+$0x7A10] =	vst.add.f32.msk $0xffff, v2  }
.Ltmp3:
0x13a: {  	[tilespmem:s0+$0x7A20] =	vst.add.f32.msk $0xffff, v3;
	(pc) =	sbr.rel @p0 .LBB2_9-.Ltmp3, $4  }
0x13b: {  	[tilespmem:s0+$0x7A30] =	vst.add.f32.msk $0xffff, v4  }
0x13c: {  	[tilespmem:s0+$0x7A40] =	vst.add.f32.msk $0xffff, v0  }
0x13d: {  	[tilespmem:s0+$0x7A50] =	vst.add.f32.msk $0xffff, v5  }
0x13e: {  	[tilespmem:s0+$0x7A60] =	vst.add.f32.msk $0xffff, v6;
	s0 =	sshra.s32 s19, $0x2;
	s19 =	sadd.s32 $0x200, s19  }
0x13f: {  	v0 =	vld [tilespmem:s0+$0x11A70]  }
0x140: {  	v1 =	vld [tilespmem:s0+$0x11A00]  }
0x141: {  	v2 =	vld [tilespmem:s0+$0x11A10]  }
0x142: {  	v3 =	vld [tilespmem:s0+$0x11A20]  }
0x143: {  	v4 =	vld [tilespmem:s0+$0x11A30]  }
0x144: {  	v63 =	vld [tilespmem:s0+$0x11A40]  }
0x145: {  	v5 =	vld [tilespmem:s0+$0x11A50]  }
0x146: {  	v6 =	vld [tilespmem:s0+$0x11A60]  }
0x147: {  	[tilespmem:s0+$0x7A70] =	vst.add.f32.msk $0xffff, v0  }
0x148: {  	[tilespmem:s0+$0x7A00] =	vst.add.f32.msk $0xffff, v1  }
0x149: {  	s14 =	sadd.s32 $0x1, s14;
	[tilespmem:s0+$0x7A10] =	vst.add.f32.msk $0xffff, v2  }
0x14a: {  	p0 =	sne.s32 s14, $0x50;
	[tilespmem:s0+$0x7A20] =	vst.add.f32.msk $0xffff, v3  }
.Ltmp4:
0x14b: {  	[tilespmem:s0+$0x7A30] =	vst.add.f32.msk $0xffff, v4;
	(pc) =	sbr.rel @p0 .LBB2_2-.Ltmp4, $4  }
0x14c: {  	[tilespmem:s0+$0x7A40] =	vst.add.f32.msk $0xffff, v63  }
0x14d: {  	[tilespmem:s0+$0x7A50] =	vst.add.f32.msk $0xffff, v5  }
0x14e: {  	s28 =	sadd.s32 s4, s9;
	[tilespmem:s0+$0x7A60] =	vst.add.f32.msk $0xffff, v6  }
0x14f: {  	[hbm4b:s28+s5] =	stream.linear.scatter [tilespmem:s11], [sflag:$0x10], $0x2800, $0x38;
	[tilespmem:$0x14200] =	vst v63  }
0x150: {  	s0 =	simm.s32 $0xD  }
0x151: {  	_ =	swait.ge [sflag:s0], $0x2800  }
0x152: {  	[sflag:s0] =	ssyncset.done $0x0  }
0x153: {  	s22 =	simm.s32 $0xE;
	[sflag:s0] =	ssyncadd.s32 $0xFFFFD800  }
0x154: {  	_ =	swait.ge [sflag:s22], $0x2800  }
0x155: {  	[sflag:s22] =	ssyncset.done $0x0  }
0x156: {  	s23 =	simm.s32 $0xF;
	[sflag:s22] =	ssyncadd.s32 $0xFFFFD800  }
0x157: {  	_ =	swait.ge [sflag:s23], $0x2800  }
0x158: {  	[sflag:s23] =	ssyncset.done $0x0  }
0x159: {  	s9 =	simm.s32 $0x10;
	[sflag:s23] =	ssyncadd.s32 $0xFFFFD800  }
0x15a: {  	_ =	swait.ge [sflag:s9], $0x2800  }
0x15b: {  	s14 =	rddreg [dreg:$0xc]  }
0x15c: {  	s28 =	rddreg [dreg:$0xb];
	s14 =	sadd.s32 $0x1, s14  }
0x15d: {  	p0 =	sne.s32 s14, s28  }
.Ltmp5:
0x15e: {  	_ = 	snop;
	(pc) =	sbr.rel @p0 .LBB2_1-.Ltmp5, $3  }
0x15f: {  	_ =	sdelay $0x1  }
0x160: {  	[sflag:s9] =	ssyncset.done $0x0  }
0x161: {  	[sflag:s9] =	ssyncadd.s32 $0xFFFFD800  }
0x162: {  	_ =	sfence.sel $0x180000  }
0x163: {  	[bflag:$0x0] =	sbarrier.arrive $0xFFFF  }
0x164: {  	_ =	strace $0x90000047  }
0x165: {  	s0 =	stileid.u32;
	[bflag:$0x2] =	sbarrier.arrive $0xFFFF  }
0x166: {  	p0 =	sne.s32 s0, $0x0;
	s0 =	rddreg [dreg:$0x4]  }
0x167: {  	s0 =	sadd.s32 @!p0 $0x100000, s0  }
0x168: {  	[sflag:s0] =	ssyncadd.tile.s32 @!p0 $0x1;
	_ =	shalt  }
.Lfunc_end2:
_tile_overlayer_lowered:
.L_overlay_start_2:
0x169: {  	(tag) =	ssettag $0x2  }
0x16a: {  	s0 =	rddreg [dreg:$0x0];
	s2 =	stileid.u32  }
0x16b: {  	s1 =	rddreg [dreg:$0x1];
	p0 =	sne.s32 s2, $0x0  }
0x16c: {  	s3 =	rddreg [dreg:$0x2];
	[bflag:$0x3] =	sbarrier.arrive $0xFFFF;
	s2 =	simm.s32 @!p0 $0x1C11  }
0x16d: {  	[timem:s3], [sflag:s2] =	dma.local @!p0 [hbm:s0], s1  }
0x16e: {  	s0 =	simm.s32 @!p0 $0x11  }
0x16f: {  	_ =	swait.ge @!p0 [sflag:s0], s1  }
0x170: {  	s1 =	ssub.s32 @!p0 $0x0, s1;
	[sflag:s0] =	ssyncset.done @!p0 $0x0  }
0x171: {  	[sflag:s0] =	ssyncadd.s32 @!p0 s1  }
0x172: {  	[bflag:$0x3] =	sbarrier.arrive $0xFFFF  }
0x173: {  	_ =	shalt  }

</sc_bundles>
